<compile_context>
chip_gen: v7x
topology: tpu7x:2x2x1
jax: 0.10.2.dev20260603
libtpu: 0.0.44.dev20260713+nightly
codegen_flags: <defaults>
</compile_context>

<pallas_src>
import functools

import jax
import jax.numpy as jnp
from jax import lax
from jax.experimental import pallas as pl
from jax.experimental.pallas import tpu as pltpu
from jax.experimental.pallas import tpu_sc as plsc

B, C, T, H, W = 16, 128, 32, 28, 28
HW = H * W
KTOP = 4
NK = T - KTOP

NBROWS = NK * H * W * B
NTROWS = B * H * W * KTOP
CHR = 112


def _feat_body(x_ref, f_ref):
    xb = x_ref[0]
    f_ref[0] = jnp.sum(xb, axis=(0, 1)) / float(HW)


def _feat(xt):
    return pl.pallas_call(
        _feat_body,
        grid=(B,),
        in_specs=[pl.BlockSpec((1, H, W, T, C), lambda b: (b, 0, 0, 0, 0))],
        out_specs=pl.BlockSpec((1, T, C), lambda b: (b, 0, 0)),
        out_shape=jax.ShapeDtypeStruct((B, T, C), jnp.float32),
        compiler_params=pltpu.CompilerParams(
            dimension_semantics=("arbitrary",)
        ),
    )(xt)


def _rank_body(f_ref, w_ref, idxb_ref, idxt_ref):
    fb = f_ref[...].astype(jnp.bfloat16).astype(jnp.float32)
    wb = w_ref[...].astype(jnp.bfloat16).astype(jnp.float32)
    s = jnp.sum(fb * wb[0][None, None, :], axis=2)
    t_iota = lax.broadcasted_iota(jnp.int32, (B, T), 1)
    rank = jnp.zeros((B, T), jnp.int32)
    for tp in range(T):
        sp = s[:, tp : tp + 1]
        beats = (sp > s) | ((sp == s) & (tp < t_iota))
        rank = rank + beats.astype(jnp.int32)
    sorted_inds = jnp.zeros((B, T), jnp.int32)
    for t in range(T):
        rcol = rank[:, t : t + 1]
        sorted_inds = sorted_inds + jnp.where(rcol == t_iota, t, 0)

    st = jnp.transpose(sorted_inds[:, KTOP:], (1, 0))
    hb = lax.broadcasted_iota(jnp.int32, (NK, H, W, B), 1)
    wv = lax.broadcasted_iota(jnp.int32, (NK, H, W, B), 2)
    bb = lax.broadcasted_iota(jnp.int32, (NK, H, W, B), 3)
    idxb_ref[...] = ((bb * H + hb) * W + wv) * T + st[:, None, None, :]

    stt = sorted_inds[:, :KTOP]
    hb2 = lax.broadcasted_iota(jnp.int32, (B, H, W, KTOP), 1)
    wv2 = lax.broadcasted_iota(jnp.int32, (B, H, W, KTOP), 2)
    bb2 = lax.broadcasted_iota(jnp.int32, (B, H, W, KTOP), 0)
    idxt_ref[...] = ((bb2 * H + hb2) * W + wv2) * T + stt[:, None, None, :]


def _rank(feat, w):
    return pl.pallas_call(
        _rank_body,
        out_shape=(
            jax.ShapeDtypeStruct((NK, H, W, B), jnp.int32),
            jax.ShapeDtypeStruct((B, H, W, KTOP), jnp.int32),
        ),
    )(feat, w.reshape(1, C))


@functools.lru_cache(maxsize=None)
def _sc_parts():
    info = plsc.get_sparse_core_info()
    ncores, nsub = info.num_cores, info.num_subcores
    nw = ncores * nsub
    nb = NBROWS // nw
    nt = NTROWS // nw
    ncb = nb // CHR
    nct = nt // CHR

    def body(xt_hbm, idxb_hbm, idxt_hbm, outb_hbm, outt_hbm,
             idxb_v, idxt_v, buf0, buf1, gsem0, gsem1, wsem0, wsem1):
        wid = lax.axis_index("s") * ncores + lax.axis_index("c")
        pltpu.sync_copy(idxb_hbm.at[pl.ds(wid * ncb, ncb)], idxb_v)
        pltpu.sync_copy(idxt_hbm.at[pl.ds(wid * nct, nct)], idxt_v)

        def stream(idx_v, nchunks, out_hbm, out_base):
            def g_start(i, buf, gsem):
                pltpu.async_copy(xt_hbm.at[idx_v.at[i]], buf, gsem)

            def g_wait(buf, gsem):
                pltpu.make_async_copy(xt_hbm.at[idx_v.at[0]], buf, gsem).wait()

            def w_start(i, buf, wsem):
                pltpu.async_copy(
                    buf, out_hbm.at[pl.ds(out_base + i * CHR, CHR)], wsem
                )

            def w_wait(i, buf, wsem):
                pltpu.make_async_copy(
                    buf, out_hbm.at[pl.ds(out_base + i * CHR, CHR)], wsem
                ).wait()

            g_start(0, buf0, gsem0)

            def pairbody(p, carry):
                i = 2 * p

                @pl.when(p >= 1)
                def _():
                    w_wait(i - 1, buf1, wsem1)

                g_start(i + 1, buf1, gsem1)
                g_wait(buf0, gsem0)
                w_start(i, buf0, wsem0)

                @pl.when(i + 2 < nchunks)
                def _():
                    w_wait(i, buf0, wsem0)
                    g_start(i + 2, buf0, gsem0)

                g_wait(buf1, gsem1)
                w_start(i + 1, buf1, wsem1)
                return carry

            lax.fori_loop(0, nchunks // 2, pairbody, 0)
            w_wait(nchunks - 2, buf0, wsem0)
            w_wait(nchunks - 1, buf1, wsem1)

        stream(idxb_v, ncb, outb_hbm, wid * nb)
        stream(idxt_v, nct, outt_hbm, wid * nt)

    fn = pl.kernel(
        body,
        out_type=(
            jax.ShapeDtypeStruct((NBROWS, C), jnp.float32),
            jax.ShapeDtypeStruct((NTROWS, C), jnp.float32),
        ),
        mesh=plsc.VectorSubcoreMesh(core_axis_name="c", subcore_axis_name="s"),
        scratch_types=[
            pltpu.VMEM((ncb, CHR), jnp.int32),
            pltpu.VMEM((nct, CHR), jnp.int32),
            pltpu.VMEM((CHR, C), jnp.float32),
            pltpu.VMEM((CHR, C), jnp.float32),
            pltpu.SemaphoreType.DMA,
            pltpu.SemaphoreType.DMA,
            pltpu.SemaphoreType.DMA,
            pltpu.SemaphoreType.DMA,
        ],
        compiler_params=pltpu.CompilerParams(use_tc_tiling_on_sc=False),
    )
    return fn, nw


def kernel(x, x_cls, score_w, score_b):
    del x_cls, score_b
    xt = jnp.transpose(x, (0, 3, 4, 2, 1))
    feat = _feat(xt)
    idxb4, idxt4 = _rank(feat, score_w)
    xr = xt.reshape(B * H * W * T, C)
    sc_fn, nw = _sc_parts()
    outb, outt = sc_fn(
        xr,
        idxb4.reshape(NBROWS // CHR, CHR),
        idxt4.reshape(NTROWS // CHR, CHR),
    )
    frames_topk_r = outt.reshape(B, H, W, KTOP, C)
    frames_back = outb.reshape(NK, H, W, B, C).transpose(3, 4, 0, 1, 2)
    return frames_topk_r, frames_back

# --- scband reference (transcript-rebuilt; emitter-appended) ---
"""Pipeline reference for scband-diff-context-aware-compression-module-30588757082731 (READ-ONLY COPY).

The authoritative reference and input builder live on the scoring server;
editing this copy changes nothing except your own understanding.
"""

import jax, jax.numpy as jnp
import numpy as np

K = 4  # number of keyframes (init kwarg k)


def setup_inputs(seed: int = 0) -> dict:
    key = jax.random.key(seed)
    k1, k2, k3 = jax.random.split(key, 3)
    x = jax.random.normal(k1, (16, 128, 32, 28, 28), dtype=jnp.float32)
    x_cls = jax.random.normal(k2, (16, 128), dtype=jnp.float32)
    # PerturbedRank score net: per-frame scalar score = Linear(C -> 1) on globally pooled frame features
    score_w = jax.random.normal(k3, (128,), dtype=jnp.float32) * (1.0 / np.sqrt(128.0))
    score_b = jnp.zeros((), dtype=jnp.float32)
    return {"x": x, "x_cls": x_cls, "score_w": score_w, "score_b": score_b}


def reference(x, x_cls, score_w, score_b):
    # strategy='wo_diff_rank': PerturbedRank with do_train=False -> plain (non-perturbed) ranking
    B, C, T, H, W = x.shape
    k = K
    # frame scores: global average pool over space, then linear head
    feat = jnp.mean(x, axis=(3, 4))              # [B, C, T]
    feat = jnp.transpose(feat, (0, 2, 1))        # [B, T, C]
    scores = feat @ score_w + score_b            # [B, T]
    sorted_inds = jnp.argsort(-scores, axis=1)   # [B, T], descending by score
    topk_inds = sorted_inds[:, :k]               # [B, k]
    back_inds = sorted_inds[:, k:]               # [B, T-k]
    # gather top-k frames and background frames along the temporal axis
    idx_t = topk_inds[:, None, :, None, None]
    frames_topk = jnp.take_along_axis(x, idx_t, axis=2)   # [B, C, k, H, W]
    idx_b = back_inds[:, None, :, None, None]
    frames_back = jnp.take_along_axis(x, idx_b, axis=2)   # [B, C, T-k, H, W]
    # 'krc' compression: 4x spatial downsample of background frames (computed as in forward;
    # not part of the returned value when return_index=False)
    nk = T - k
    frames_back_lowres = frames_back.reshape(B, C, nk, H // 4, 4, W // 4, 4).mean(axis=(4, 6))
    frames_back_lowres = jnp.transpose(frames_back_lowres, (0, 3, 4, 2, 1))  # b h w nk c
    # rearrange 'b c k h w -> b h w k c'
    frames_topk_r = jnp.transpose(frames_topk, (0, 3, 4, 2, 1))
    # return_index=False path returns (frames_topk, frames_back)
    return (frames_topk_r, frames_back)

if __name__ == "__main__":
    import jax
    _d = setup_inputs()
    print(jax.jit(kernel)(*tuple(_d.values())))

</pallas_src>

<mosaic_0001>
#map = affine_map<(d0, d1) -> (0, 0)>
module attributes {stable_mosaic.version = 14 : i64} {
  func.func @body(%arg0: i32, %arg1: i32, %arg2: memref<401408x128xf32, #tpu.memory_space<hbm>>, %arg3: memref<3136x112xi32, #tpu.memory_space<hbm>>, %arg4: memref<448x112xi32, #tpu.memory_space<hbm>>, %arg5: memref<351232x128xf32, #tpu.memory_space<hbm>>, %arg6: memref<50176x128xf32, #tpu.memory_space<hbm>>, %arg7: memref<98x112xi32, #tpu.memory_space<vmem>>, %arg8: memref<14x112xi32, #tpu.memory_space<vmem>>, %arg9: memref<112x128xf32, #tpu.memory_space<vmem>>, %arg10: memref<112x128xf32, #tpu.memory_space<vmem>>, %arg11: memref<!tpu.dma_semaphore, #tpu.memory_space<semaphore_mem>>, %arg12: memref<!tpu.dma_semaphore, #tpu.memory_space<semaphore_mem>>, %arg13: memref<!tpu.dma_semaphore, #tpu.memory_space<semaphore_mem>>, %arg14: memref<!tpu.dma_semaphore, #tpu.memory_space<semaphore_mem>>) attributes {dimension_semantics = [#tpu.dimension_semantics<core_parallel>, #tpu.dimension_semantics<subcore_parallel>], iteration_bounds = array<i64: 2, 16>, scalar_prefetch = 0 : i64, scratch_operands = 8 : i64, tpu.core_type = #tpu.core_type<sc_vector_subcore>, window_params = [{transform_indices = #map}, {transform_indices = #map}, {transform_indices = #map}, {transform_indices = #map}, {transform_indices = #map}]} {
    %mul3A = arith.constant 2 : i32
    %mul3A_0 = arith.muli %arg1, %mul3A : i32
    %add3A = arith.addi %mul3A_0, %arg0 : i32
    %mul3A_1 = arith.constant 98 : i32
    %mul3A_2 = arith.muli %add3A, %mul3A_1 : i32
    "tpu.region"() ({
      %run_scoped3A = tpu.sem_alloc : memref<!tpu.dma_semaphore, #tpu.memory_space<semaphore_mem>>
      %dma_start3A_56 = arith.constant 0 : i32
      %dma_start3A_57 = tpu.memref_slice %arg3[%mul3A_2, %dma_start3A_56] : memref<3136x112xi32, #tpu.memory_space<hbm>> -> memref<98x112xi32, #tpu.memory_space<hbm>>
      %dma_start3A_58 = arith.constant 0 : i32
      %dma_start3A_59 = tpu.memref_slice %arg3[%mul3A_2, %dma_start3A_58] : memref<3136x112xi32, #tpu.memory_space<hbm>> -> memref<98x112xi32, #tpu.memory_space<hbm>>
      tpu.enqueue_dma source(%dma_start3A_59 : memref<98x112xi32, #tpu.memory_space<hbm>>) target(%arg7 : memref<98x112xi32, #tpu.memory_space<vmem>>) target_semaphore(%run_scoped3A : memref<!tpu.dma_semaphore, #tpu.memory_space<semaphore_mem>>)
      %dma_wait3A_60 = arith.constant 0 : i32
      %dma_wait3A_61 = tpu.memref_slice %arg3[%mul3A_2, %dma_wait3A_60] : memref<3136x112xi32, #tpu.memory_space<hbm>> -> memref<98x112xi32, #tpu.memory_space<hbm>>
      %dma_wait3A_62 = arith.constant 0 : i32
      %dma_wait3A_63 = tpu.memref_slice %arg3[%mul3A_2, %dma_wait3A_62] : memref<3136x112xi32, #tpu.memory_space<hbm>> -> memref<98x112xi32, #tpu.memory_space<hbm>>
      tpu.wait_dma2 semaphore(%run_scoped3A : memref<!tpu.dma_semaphore, #tpu.memory_space<semaphore_mem>>) src(%dma_wait3A_63 : memref<98x112xi32, #tpu.memory_space<hbm>>) dst(%arg7 : memref<98x112xi32, #tpu.memory_space<vmem>>)
      tpu.yield
    }) : () -> ()
    %mul3A_3 = arith.constant 14 : i32
    %mul3A_4 = arith.muli %add3A, %mul3A_3 : i32
    "tpu.region"() ({
      %run_scoped3A = tpu.sem_alloc : memref<!tpu.dma_semaphore, #tpu.memory_space<semaphore_mem>>
      %dma_start3A_56 = arith.constant 0 : i32
      %dma_start3A_57 = tpu.memref_slice %arg4[%mul3A_4, %dma_start3A_56] : memref<448x112xi32, #tpu.memory_space<hbm>> -> memref<14x112xi32, #tpu.memory_space<hbm>>
      %dma_start3A_58 = arith.constant 0 : i32
      %dma_start3A_59 = tpu.memref_slice %arg4[%mul3A_4, %dma_start3A_58] : memref<448x112xi32, #tpu.memory_space<hbm>> -> memref<14x112xi32, #tpu.memory_space<hbm>>
      tpu.enqueue_dma source(%dma_start3A_59 : memref<14x112xi32, #tpu.memory_space<hbm>>) target(%arg8 : memref<14x112xi32, #tpu.memory_space<vmem>>) target_semaphore(%run_scoped3A : memref<!tpu.dma_semaphore, #tpu.memory_space<semaphore_mem>>)
      %dma_wait3A_60 = arith.constant 0 : i32
      %dma_wait3A_61 = tpu.memref_slice %arg4[%mul3A_4, %dma_wait3A_60] : memref<448x112xi32, #tpu.memory_space<hbm>> -> memref<14x112xi32, #tpu.memory_space<hbm>>
      %dma_wait3A_62 = arith.constant 0 : i32
      %dma_wait3A_63 = tpu.memref_slice %arg4[%mul3A_4, %dma_wait3A_62] : memref<448x112xi32, #tpu.memory_space<hbm>> -> memref<14x112xi32, #tpu.memory_space<hbm>>
      tpu.wait_dma2 semaphore(%run_scoped3A : memref<!tpu.dma_semaphore, #tpu.memory_space<semaphore_mem>>) src(%dma_wait3A_63 : memref<14x112xi32, #tpu.memory_space<hbm>>) dst(%arg8 : memref<14x112xi32, #tpu.memory_space<vmem>>)
      tpu.yield
    }) : () -> ()
    %mul3A_5 = arith.constant 10976 : i32
    %mul3A_6 = arith.muli %add3A, %mul3A_5 : i32
    %dma_start3A = arith.constant 0 : i32
    %dma_start3A_7 = arith.constant 0 : i32
    %dma_start3A_8 = tpu.memref_slice %arg7[%dma_start3A, %dma_start3A_7] : memref<98x112xi32, #tpu.memory_space<vmem>> -> memref<1x112xi32, #tpu.memory_space<vmem>>
    %dma_start3A_9 = tpu.memref_squeeze %dma_start3A_8 : memref<1x112xi32, #tpu.memory_space<vmem>> -> memref<112xi32, #tpu.memory_space<vmem>>
    %dma_start3A_10 = arith.constant 0 : i32
    %dma_start3A_11 = arith.constant 0 : i32
    %dma_start3A_12 = tpu.memref_slice %arg2[%dma_start3A_10, %dma_start3A_11] : memref<401408x128xf32, #tpu.memory_space<hbm>> -> memref<401408x128xf32, #tpu.memory_space<hbm>>
    tpu.enqueue_indirect_dma source(%dma_start3A_12 : memref<401408x128xf32, #tpu.memory_space<hbm>>) target(%arg9 : memref<112x128xf32, #tpu.memory_space<vmem>>) offsets(%dma_start3A_9 : memref<112xi32, #tpu.memory_space<vmem>>) semaphore(%arg11 : memref<!tpu.dma_semaphore, #tpu.memory_space<semaphore_mem>>)
    %scan3A = arith.constant 0 : i32
    %scan3A_13 = arith.constant 0 : i32
    %scan3A_14 = arith.constant 49 : i32
    %scan3A_15 = arith.addi %scan3A_13, %scan3A_14 : i32
    %scan3A_16 = arith.constant 1 : i32
    scf.for %scan3A_56 = %scan3A_13 to %scan3A_15 step %scan3A_16  : i32 {
      %mul3A_57 = arith.constant 2 : i32
      %mul3A_58 = arith.muli %mul3A_57, %scan3A_56 : i32
      %ge3A = arith.constant 1 : i32
      %ge3A_59 = arith.cmpi sge, %scan3A_56, %ge3A : i32
      %convert_element_type3A = arith.extui %ge3A_59 : i1 to i32
      %cond3A = arith.constant 0 : i32
      %cond3A_60 = arith.cmpi ne, %convert_element_type3A, %cond3A : i32
      scf.if %cond3A_60 {
        %sub3A = arith.constant 1 : i32
        %sub3A_105 = arith.subi %mul3A_58, %sub3A : i32
        %mul3A_106 = arith.constant 112 : i32
        %mul3A_107 = arith.muli %sub3A_105, %mul3A_106 : i32
        %add3A_108 = arith.addi %mul3A_6, %mul3A_107 : i32
        %dma_wait3A_109 = arith.constant 0 : i32
        %dma_wait3A_110 = tpu.memref_slice %arg5[%add3A_108, %dma_wait3A_109] : memref<351232x128xf32, #tpu.memory_space<hbm>> -> memref<112x128xf32, #tpu.memory_space<hbm>>
        %dma_wait3A_111 = arith.constant 0 : i32
        %dma_wait3A_112 = tpu.memref_slice %arg5[%add3A_108, %dma_wait3A_111] : memref<351232x128xf32, #tpu.memory_space<hbm>> -> memref<112x128xf32, #tpu.memory_space<hbm>>
        tpu.wait_dma2 semaphore(%arg14 : memref<!tpu.dma_semaphore, #tpu.memory_space<semaphore_mem>>) src(%arg10 : memref<112x128xf32, #tpu.memory_space<vmem>>) dst(%dma_wait3A_112 : memref<112x128xf32, #tpu.memory_space<hbm>>)
      } else {
      }
      %add3A_61 = arith.constant 1 : i32
      %add3A_62 = arith.addi %mul3A_58, %add3A_61 : i32
      %dma_start3A_63 = arith.constant 0 : i32
      %dma_start3A_64 = tpu.memref_slice %arg7[%add3A_62, %dma_start3A_63] : memref<98x112xi32, #tpu.memory_space<vmem>> -> memref<1x112xi32, #tpu.memory_space<vmem>>
      %dma_start3A_65 = tpu.memref_squeeze %dma_start3A_64 : memref<1x112xi32, #tpu.memory_space<vmem>> -> memref<112xi32, #tpu.memory_space<vmem>>
      %dma_start3A_66 = arith.constant 0 : i32
      %dma_start3A_67 = arith.constant 0 : i32
      %dma_start3A_68 = tpu.memref_slice %arg2[%dma_start3A_66, %dma_start3A_67] : memref<401408x128xf32, #tpu.memory_space<hbm>> -> memref<401408x128xf32, #tpu.memory_space<hbm>>
      tpu.enqueue_indirect_dma source(%dma_start3A_68 : memref<401408x128xf32, #tpu.memory_space<hbm>>) target(%arg10 : memref<112x128xf32, #tpu.memory_space<vmem>>) offsets(%dma_start3A_65 : memref<112xi32, #tpu.memory_space<vmem>>) semaphore(%arg12 : memref<!tpu.dma_semaphore, #tpu.memory_space<semaphore_mem>>)
      %dma_wait3A_69 = arith.constant 0 : i32
      %dma_wait3A_70 = arith.constant 0 : i32
      %dma_wait3A_71 = tpu.memref_slice %arg7[%dma_wait3A_69, %dma_wait3A_70] : memref<98x112xi32, #tpu.memory_space<vmem>> -> memref<1x112xi32, #tpu.memory_space<vmem>>
      %dma_wait3A_72 = tpu.memref_squeeze %dma_wait3A_71 : memref<1x112xi32, #tpu.memory_space<vmem>> -> memref<112xi32, #tpu.memory_space<vmem>>
      %dma_wait3A_73 = arith.constant 0 : i32
      %dma_wait3A_74 = arith.constant 0 : i32
      %dma_wait3A_75 = tpu.memref_slice %arg2[%dma_wait3A_73, %dma_wait3A_74] : memref<401408x128xf32, #tpu.memory_space<hbm>> -> memref<401408x128xf32, #tpu.memory_space<hbm>>
      tpu.wait_indirect_dma semaphore(%arg11 : memref<!tpu.dma_semaphore, #tpu.memory_space<semaphore_mem>>) src(%dma_wait3A_75 : memref<401408x128xf32, #tpu.memory_space<hbm>>) dst(%arg9 : memref<112x128xf32, #tpu.memory_space<vmem>>)
      %mul3A_76 = arith.constant 112 : i32
      %mul3A_77 = arith.muli %mul3A_58, %mul3A_76 : i32
      %add3A_78 = arith.addi %mul3A_6, %mul3A_77 : i32
      %dma_start3A_79 = arith.constant 0 : i32
      %dma_start3A_80 = tpu.memref_slice %arg5[%add3A_78, %dma_start3A_79] : memref<351232x128xf32, #tpu.memory_space<hbm>> -> memref<112x128xf32, #tpu.memory_space<hbm>>
      %dma_start3A_81 = arith.constant 0 : i32
      %dma_start3A_82 = tpu.memref_slice %arg5[%add3A_78, %dma_start3A_81] : memref<351232x128xf32, #tpu.memory_space<hbm>> -> memref<112x128xf32, #tpu.memory_space<hbm>>
      tpu.enqueue_dma source(%arg9 : memref<112x128xf32, #tpu.memory_space<vmem>>) target(%dma_start3A_82 : memref<112x128xf32, #tpu.memory_space<hbm>>) target_semaphore(%arg13 : memref<!tpu.dma_semaphore, #tpu.memory_space<semaphore_mem>>)
      %add3A_83 = arith.constant 2 : i32
      %add3A_84 = arith.addi %mul3A_58, %add3A_83 : i32
      %lt3A = arith.constant 98 : i32
      %lt3A_85 = arith.cmpi slt, %add3A_84, %lt3A : i32
      %convert_element_type3A_86 = arith.extui %lt3A_85 : i1 to i32
      %cond3A_87 = arith.constant 0 : i32
      %cond3A_88 = arith.cmpi ne, %convert_element_type3A_86, %cond3A_87 : i32
      scf.if %cond3A_88 {
        %mul3A_105 = arith.constant 112 : i32
        %mul3A_106 = arith.muli %mul3A_58, %mul3A_105 : i32
        %add3A_107 = arith.addi %mul3A_6, %mul3A_106 : i32
        %dma_wait3A_108 = arith.constant 0 : i32
        %dma_wait3A_109 = tpu.memref_slice %arg5[%add3A_107, %dma_wait3A_108] : memref<351232x128xf32, #tpu.memory_space<hbm>> -> memref<112x128xf32, #tpu.memory_space<hbm>>
        %dma_wait3A_110 = arith.constant 0 : i32
        %dma_wait3A_111 = tpu.memref_slice %arg5[%add3A_107, %dma_wait3A_110] : memref<351232x128xf32, #tpu.memory_space<hbm>> -> memref<112x128xf32, #tpu.memory_space<hbm>>
        tpu.wait_dma2 semaphore(%arg13 : memref<!tpu.dma_semaphore, #tpu.memory_space<semaphore_mem>>) src(%arg9 : memref<112x128xf32, #tpu.memory_space<vmem>>) dst(%dma_wait3A_111 : memref<112x128xf32, #tpu.memory_space<hbm>>)
        %add3A_112 = arith.constant 2 : i32
        %add3A_113 = arith.addi %mul3A_58, %add3A_112 : i32
        %dma_start3A_114 = arith.constant 0 : i32
        %dma_start3A_115 = tpu.memref_slice %arg7[%add3A_113, %dma_start3A_114] : memref<98x112xi32, #tpu.memory_space<vmem>> -> memref<1x112xi32, #tpu.memory_space<vmem>>
        %dma_start3A_116 = tpu.memref_squeeze %dma_start3A_115 : memref<1x112xi32, #tpu.memory_space<vmem>> -> memref<112xi32, #tpu.memory_space<vmem>>
        %dma_start3A_117 = arith.constant 0 : i32
        %dma_start3A_118 = arith.constant 0 : i32
        %dma_start3A_119 = tpu.memref_slice %arg2[%dma_start3A_117, %dma_start3A_118] : memref<401408x128xf32, #tpu.memory_space<hbm>> -> memref<401408x128xf32, #tpu.memory_space<hbm>>
        tpu.enqueue_indirect_dma source(%dma_start3A_119 : memref<401408x128xf32, #tpu.memory_space<hbm>>) target(%arg9 : memref<112x128xf32, #tpu.memory_space<vmem>>) offsets(%dma_start3A_116 : memref<112xi32, #tpu.memory_space<vmem>>) semaphore(%arg11 : memref<!tpu.dma_semaphore, #tpu.memory_space<semaphore_mem>>)
      } else {
      }
      %dma_wait3A_89 = arith.constant 0 : i32
      %dma_wait3A_90 = arith.constant 0 : i32
      %dma_wait3A_91 = tpu.memref_slice %arg7[%dma_wait3A_89, %dma_wait3A_90] : memref<98x112xi32, #tpu.memory_space<vmem>> -> memref<1x112xi32, #tpu.memory_space<vmem>>
      %dma_wait3A_92 = tpu.memref_squeeze %dma_wait3A_91 : memref<1x112xi32, #tpu.memory_space<vmem>> -> memref<112xi32, #tpu.memory_space<vmem>>
      %dma_wait3A_93 = arith.constant 0 : i32
      %dma_wait3A_94 = arith.constant 0 : i32
      %dma_wait3A_95 = tpu.memref_slice %arg2[%dma_wait3A_93, %dma_wait3A_94] : memref<401408x128xf32, #tpu.memory_space<hbm>> -> memref<401408x128xf32, #tpu.memory_space<hbm>>
      tpu.wait_indirect_dma semaphore(%arg12 : memref<!tpu.dma_semaphore, #tpu.memory_space<semaphore_mem>>) src(%dma_wait3A_95 : memref<401408x128xf32, #tpu.memory_space<hbm>>) dst(%arg10 : memref<112x128xf32, #tpu.memory_space<vmem>>)
      %add3A_96 = arith.constant 1 : i32
      %add3A_97 = arith.addi %mul3A_58, %add3A_96 : i32
      %mul3A_98 = arith.constant 112 : i32
      %mul3A_99 = arith.muli %add3A_97, %mul3A_98 : i32
      %add3A_100 = arith.addi %mul3A_6, %mul3A_99 : i32
      %dma_start3A_101 = arith.constant 0 : i32
      %dma_start3A_102 = tpu.memref_slice %arg5[%add3A_100, %dma_start3A_101] : memref<351232x128xf32, #tpu.memory_space<hbm>> -> memref<112x128xf32, #tpu.memory_space<hbm>>
      %dma_start3A_103 = arith.constant 0 : i32
      %dma_start3A_104 = tpu.memref_slice %arg5[%add3A_100, %dma_start3A_103] : memref<351232x128xf32, #tpu.memory_space<hbm>> -> memref<112x128xf32, #tpu.memory_space<hbm>>
      tpu.enqueue_dma source(%arg10 : memref<112x128xf32, #tpu.memory_space<vmem>>) target(%dma_start3A_104 : memref<112x128xf32, #tpu.memory_space<hbm>>) target_semaphore(%arg14 : memref<!tpu.dma_semaphore, #tpu.memory_space<semaphore_mem>>)
    }
    %scan3A_17 = arith.constant 49 : i32
    %add3A_18 = arith.constant 10752 : i32
    %add3A_19 = arith.addi %mul3A_6, %add3A_18 : i32
    %dma_wait3A = arith.constant 0 : i32
    %dma_wait3A_20 = tpu.memref_slice %arg5[%add3A_19, %dma_wait3A] : memref<351232x128xf32, #tpu.memory_space<hbm>> -> memref<112x128xf32, #tpu.memory_space<hbm>>
    %dma_wait3A_21 = arith.constant 0 : i32
    %dma_wait3A_22 = tpu.memref_slice %arg5[%add3A_19, %dma_wait3A_21] : memref<351232x128xf32, #tpu.memory_space<hbm>> -> memref<112x128xf32, #tpu.memory_space<hbm>>
    tpu.wait_dma2 semaphore(%arg13 : memref<!tpu.dma_semaphore, #tpu.memory_space<semaphore_mem>>) src(%arg9 : memref<112x128xf32, #tpu.memory_space<vmem>>) dst(%dma_wait3A_22 : memref<112x128xf32, #tpu.memory_space<hbm>>)
    %add3A_23 = arith.constant 10864 : i32
    %add3A_24 = arith.addi %mul3A_6, %add3A_23 : i32
    %dma_wait3A_25 = arith.constant 0 : i32
    %dma_wait3A_26 = tpu.memref_slice %arg5[%add3A_24, %dma_wait3A_25] : memref<351232x128xf32, #tpu.memory_space<hbm>> -> memref<112x128xf32, #tpu.memory_space<hbm>>
    %dma_wait3A_27 = arith.constant 0 : i32
    %dma_wait3A_28 = tpu.memref_slice %arg5[%add3A_24, %dma_wait3A_27] : memref<351232x128xf32, #tpu.memory_space<hbm>> -> memref<112x128xf32, #tpu.memory_space<hbm>>
    tpu.wait_dma2 semaphore(%arg14 : memref<!tpu.dma_semaphore, #tpu.memory_space<semaphore_mem>>) src(%arg10 : memref<112x128xf32, #tpu.memory_space<vmem>>) dst(%dma_wait3A_28 : memref<112x128xf32, #tpu.memory_space<hbm>>)
    %mul3A_29 = arith.constant 1568 : i32
    %mul3A_30 = arith.muli %add3A, %mul3A_29 : i32
    %dma_start3A_31 = arith.constant 0 : i32
    %dma_start3A_32 = arith.constant 0 : i32
    %dma_start3A_33 = tpu.memref_slice %arg8[%dma_start3A_31, %dma_start3A_32] : memref<14x112xi32, #tpu.memory_space<vmem>> -> memref<1x112xi32, #tpu.memory_space<vmem>>
    %dma_start3A_34 = tpu.memref_squeeze %dma_start3A_33 : memref<1x112xi32, #tpu.memory_space<vmem>> -> memref<112xi32, #tpu.memory_space<vmem>>
    %dma_start3A_35 = arith.constant 0 : i32
    %dma_start3A_36 = arith.constant 0 : i32
    %dma_start3A_37 = tpu.memref_slice %arg2[%dma_start3A_35, %dma_start3A_36] : memref<401408x128xf32, #tpu.memory_space<hbm>> -> memref<401408x128xf32, #tpu.memory_space<hbm>>
    tpu.enqueue_indirect_dma source(%dma_start3A_37 : memref<401408x128xf32, #tpu.memory_space<hbm>>) target(%arg9 : memref<112x128xf32, #tpu.memory_space<vmem>>) offsets(%dma_start3A_34 : memref<112xi32, #tpu.memory_space<vmem>>) semaphore(%arg11 : memref<!tpu.dma_semaphore, #tpu.memory_space<semaphore_mem>>)
    %scan3A_38 = arith.constant 0 : i32
    %scan3A_39 = arith.constant 0 : i32
    %scan3A_40 = arith.constant 7 : i32
    %scan3A_41 = arith.addi %scan3A_39, %scan3A_40 : i32
    %scan3A_42 = arith.constant 1 : i32
    scf.for %scan3A_56 = %scan3A_39 to %scan3A_41 step %scan3A_42  : i32 {
      %mul3A_57 = arith.constant 2 : i32
      %mul3A_58 = arith.muli %mul3A_57, %scan3A_56 : i32
      %ge3A = arith.constant 1 : i32
      %ge3A_59 = arith.cmpi sge, %scan3A_56, %ge3A : i32
      %convert_element_type3A = arith.extui %ge3A_59 : i1 to i32
      %cond3A = arith.constant 0 : i32
      %cond3A_60 = arith.cmpi ne, %convert_element_type3A, %cond3A : i32
      scf.if %cond3A_60 {
        %sub3A = arith.constant 1 : i32
        %sub3A_105 = arith.subi %mul3A_58, %sub3A : i32
        %mul3A_106 = arith.constant 112 : i32
        %mul3A_107 = arith.muli %sub3A_105, %mul3A_106 : i32
        %add3A_108 = arith.addi %mul3A_30, %mul3A_107 : i32
        %dma_wait3A_109 = arith.constant 0 : i32
        %dma_wait3A_110 = tpu.memref_slice %arg6[%add3A_108, %dma_wait3A_109] : memref<50176x128xf32, #tpu.memory_space<hbm>> -> memref<112x128xf32, #tpu.memory_space<hbm>>
        %dma_wait3A_111 = arith.constant 0 : i32
        %dma_wait3A_112 = tpu.memref_slice %arg6[%add3A_108, %dma_wait3A_111] : memref<50176x128xf32, #tpu.memory_space<hbm>> -> memref<112x128xf32, #tpu.memory_space<hbm>>
        tpu.wait_dma2 semaphore(%arg14 : memref<!tpu.dma_semaphore, #tpu.memory_space<semaphore_mem>>) src(%arg10 : memref<112x128xf32, #tpu.memory_space<vmem>>) dst(%dma_wait3A_112 : memref<112x128xf32, #tpu.memory_space<hbm>>)
      } else {
      }
      %add3A_61 = arith.constant 1 : i32
      %add3A_62 = arith.addi %mul3A_58, %add3A_61 : i32
      %dma_start3A_63 = arith.constant 0 : i32
      %dma_start3A_64 = tpu.memref_slice %arg8[%add3A_62, %dma_start3A_63] : memref<14x112xi32, #tpu.memory_space<vmem>> -> memref<1x112xi32, #tpu.memory_space<vmem>>
      %dma_start3A_65 = tpu.memref_squeeze %dma_start3A_64 : memref<1x112xi32, #tpu.memory_space<vmem>> -> memref<112xi32, #tpu.memory_space<vmem>>
      %dma_start3A_66 = arith.constant 0 : i32
      %dma_start3A_67 = arith.constant 0 : i32
      %dma_start3A_68 = tpu.memref_slice %arg2[%dma_start3A_66, %dma_start3A_67] : memref<401408x128xf32, #tpu.memory_space<hbm>> -> memref<401408x128xf32, #tpu.memory_space<hbm>>
      tpu.enqueue_indirect_dma source(%dma_start3A_68 : memref<401408x128xf32, #tpu.memory_space<hbm>>) target(%arg10 : memref<112x128xf32, #tpu.memory_space<vmem>>) offsets(%dma_start3A_65 : memref<112xi32, #tpu.memory_space<vmem>>) semaphore(%arg12 : memref<!tpu.dma_semaphore, #tpu.memory_space<semaphore_mem>>)
      %dma_wait3A_69 = arith.constant 0 : i32
      %dma_wait3A_70 = arith.constant 0 : i32
      %dma_wait3A_71 = tpu.memref_slice %arg8[%dma_wait3A_69, %dma_wait3A_70] : memref<14x112xi32, #tpu.memory_space<vmem>> -> memref<1x112xi32, #tpu.memory_space<vmem>>
      %dma_wait3A_72 = tpu.memref_squeeze %dma_wait3A_71 : memref<1x112xi32, #tpu.memory_space<vmem>> -> memref<112xi32, #tpu.memory_space<vmem>>
      %dma_wait3A_73 = arith.constant 0 : i32
      %dma_wait3A_74 = arith.constant 0 : i32
      %dma_wait3A_75 = tpu.memref_slice %arg2[%dma_wait3A_73, %dma_wait3A_74] : memref<401408x128xf32, #tpu.memory_space<hbm>> -> memref<401408x128xf32, #tpu.memory_space<hbm>>
      tpu.wait_indirect_dma semaphore(%arg11 : memref<!tpu.dma_semaphore, #tpu.memory_space<semaphore_mem>>) src(%dma_wait3A_75 : memref<401408x128xf32, #tpu.memory_space<hbm>>) dst(%arg9 : memref<112x128xf32, #tpu.memory_space<vmem>>)
      %mul3A_76 = arith.constant 112 : i32
      %mul3A_77 = arith.muli %mul3A_58, %mul3A_76 : i32
      %add3A_78 = arith.addi %mul3A_30, %mul3A_77 : i32
      %dma_start3A_79 = arith.constant 0 : i32
      %dma_start3A_80 = tpu.memref_slice %arg6[%add3A_78, %dma_start3A_79] : memref<50176x128xf32, #tpu.memory_space<hbm>> -> memref<112x128xf32, #tpu.memory_space<hbm>>
      %dma_start3A_81 = arith.constant 0 : i32
      %dma_start3A_82 = tpu.memref_slice %arg6[%add3A_78, %dma_start3A_81] : memref<50176x128xf32, #tpu.memory_space<hbm>> -> memref<112x128xf32, #tpu.memory_space<hbm>>
      tpu.enqueue_dma source(%arg9 : memref<112x128xf32, #tpu.memory_space<vmem>>) target(%dma_start3A_82 : memref<112x128xf32, #tpu.memory_space<hbm>>) target_semaphore(%arg13 : memref<!tpu.dma_semaphore, #tpu.memory_space<semaphore_mem>>)
      %add3A_83 = arith.constant 2 : i32
      %add3A_84 = arith.addi %mul3A_58, %add3A_83 : i32
      %lt3A = arith.constant 14 : i32
      %lt3A_85 = arith.cmpi slt, %add3A_84, %lt3A : i32
      %convert_element_type3A_86 = arith.extui %lt3A_85 : i1 to i32
      %cond3A_87 = arith.constant 0 : i32
      %cond3A_88 = arith.cmpi ne, %convert_element_type3A_86, %cond3A_87 : i32
      scf.if %cond3A_88 {
        %mul3A_105 = arith.constant 112 : i32
        %mul3A_106 = arith.muli %mul3A_58, %mul3A_105 : i32
        %add3A_107 = arith.addi %mul3A_30, %mul3A_106 : i32
        %dma_wait3A_108 = arith.constant 0 : i32
        %dma_wait3A_109 = tpu.memref_slice %arg6[%add3A_107, %dma_wait3A_108] : memref<50176x128xf32, #tpu.memory_space<hbm>> -> memref<112x128xf32, #tpu.memory_space<hbm>>
        %dma_wait3A_110 = arith.constant 0 : i32
        %dma_wait3A_111 = tpu.memref_slice %arg6[%add3A_107, %dma_wait3A_110] : memref<50176x128xf32, #tpu.memory_space<hbm>> -> memref<112x128xf32, #tpu.memory_space<hbm>>
        tpu.wait_dma2 semaphore(%arg13 : memref<!tpu.dma_semaphore, #tpu.memory_space<semaphore_mem>>) src(%arg9 : memref<112x128xf32, #tpu.memory_space<vmem>>) dst(%dma_wait3A_111 : memref<112x128xf32, #tpu.memory_space<hbm>>)
        %add3A_112 = arith.constant 2 : i32
        %add3A_113 = arith.addi %mul3A_58, %add3A_112 : i32
        %dma_start3A_114 = arith.constant 0 : i32
        %dma_start3A_115 = tpu.memref_slice %arg8[%add3A_113, %dma_start3A_114] : memref<14x112xi32, #tpu.memory_space<vmem>> -> memref<1x112xi32, #tpu.memory_space<vmem>>
        %dma_start3A_116 = tpu.memref_squeeze %dma_start3A_115 : memref<1x112xi32, #tpu.memory_space<vmem>> -> memref<112xi32, #tpu.memory_space<vmem>>
        %dma_start3A_117 = arith.constant 0 : i32
        %dma_start3A_118 = arith.constant 0 : i32
        %dma_start3A_119 = tpu.memref_slice %arg2[%dma_start3A_117, %dma_start3A_118] : memref<401408x128xf32, #tpu.memory_space<hbm>> -> memref<401408x128xf32, #tpu.memory_space<hbm>>
        tpu.enqueue_indirect_dma source(%dma_start3A_119 : memref<401408x128xf32, #tpu.memory_space<hbm>>) target(%arg9 : memref<112x128xf32, #tpu.memory_space<vmem>>) offsets(%dma_start3A_116 : memref<112xi32, #tpu.memory_space<vmem>>) semaphore(%arg11 : memref<!tpu.dma_semaphore, #tpu.memory_space<semaphore_mem>>)
      } else {
      }
      %dma_wait3A_89 = arith.constant 0 : i32
      %dma_wait3A_90 = arith.constant 0 : i32
      %dma_wait3A_91 = tpu.memref_slice %arg8[%dma_wait3A_89, %dma_wait3A_90] : memref<14x112xi32, #tpu.memory_space<vmem>> -> memref<1x112xi32, #tpu.memory_space<vmem>>
      %dma_wait3A_92 = tpu.memref_squeeze %dma_wait3A_91 : memref<1x112xi32, #tpu.memory_space<vmem>> -> memref<112xi32, #tpu.memory_space<vmem>>
      %dma_wait3A_93 = arith.constant 0 : i32
      %dma_wait3A_94 = arith.constant 0 : i32
      %dma_wait3A_95 = tpu.memref_slice %arg2[%dma_wait3A_93, %dma_wait3A_94] : memref<401408x128xf32, #tpu.memory_space<hbm>> -> memref<401408x128xf32, #tpu.memory_space<hbm>>
      tpu.wait_indirect_dma semaphore(%arg12 : memref<!tpu.dma_semaphore, #tpu.memory_space<semaphore_mem>>) src(%dma_wait3A_95 : memref<401408x128xf32, #tpu.memory_space<hbm>>) dst(%arg10 : memref<112x128xf32, #tpu.memory_space<vmem>>)
      %add3A_96 = arith.constant 1 : i32
      %add3A_97 = arith.addi %mul3A_58, %add3A_96 : i32
      %mul3A_98 = arith.constant 112 : i32
      %mul3A_99 = arith.muli %add3A_97, %mul3A_98 : i32
      %add3A_100 = arith.addi %mul3A_30, %mul3A_99 : i32
      %dma_start3A_101 = arith.constant 0 : i32
      %dma_start3A_102 = tpu.memref_slice %arg6[%add3A_100, %dma_start3A_101] : memref<50176x128xf32, #tpu.memory_space<hbm>> -> memref<112x128xf32, #tpu.memory_space<hbm>>
      %dma_start3A_103 = arith.constant 0 : i32
      %dma_start3A_104 = tpu.memref_slice %arg6[%add3A_100, %dma_start3A_103] : memref<50176x128xf32, #tpu.memory_space<hbm>> -> memref<112x128xf32, #tpu.memory_space<hbm>>
      tpu.enqueue_dma source(%arg10 : memref<112x128xf32, #tpu.memory_space<vmem>>) target(%dma_start3A_104 : memref<112x128xf32, #tpu.memory_space<hbm>>) target_semaphore(%arg14 : memref<!tpu.dma_semaphore, #tpu.memory_space<semaphore_mem>>)
    }
    %scan3A_43 = arith.constant 7 : i32
    %add3A_44 = arith.constant 1344 : i32
    %add3A_45 = arith.addi %mul3A_30, %add3A_44 : i32
    %dma_wait3A_46 = arith.constant 0 : i32
    %dma_wait3A_47 = tpu.memref_slice %arg6[%add3A_45, %dma_wait3A_46] : memref<50176x128xf32, #tpu.memory_space<hbm>> -> memref<112x128xf32, #tpu.memory_space<hbm>>
    %dma_wait3A_48 = arith.constant 0 : i32
    %dma_wait3A_49 = tpu.memref_slice %arg6[%add3A_45, %dma_wait3A_48] : memref<50176x128xf32, #tpu.memory_space<hbm>> -> memref<112x128xf32, #tpu.memory_space<hbm>>
    tpu.wait_dma2 semaphore(%arg13 : memref<!tpu.dma_semaphore, #tpu.memory_space<semaphore_mem>>) src(%arg9 : memref<112x128xf32, #tpu.memory_space<vmem>>) dst(%dma_wait3A_49 : memref<112x128xf32, #tpu.memory_space<hbm>>)
    %add3A_50 = arith.constant 1456 : i32
    %add3A_51 = arith.addi %mul3A_30, %add3A_50 : i32
    %dma_wait3A_52 = arith.constant 0 : i32
    %dma_wait3A_53 = tpu.memref_slice %arg6[%add3A_51, %dma_wait3A_52] : memref<50176x128xf32, #tpu.memory_space<hbm>> -> memref<112x128xf32, #tpu.memory_space<hbm>>
    %dma_wait3A_54 = arith.constant 0 : i32
    %dma_wait3A_55 = tpu.memref_slice %arg6[%add3A_51, %dma_wait3A_54] : memref<50176x128xf32, #tpu.memory_space<hbm>> -> memref<112x128xf32, #tpu.memory_space<hbm>>
    tpu.wait_dma2 semaphore(%arg14 : memref<!tpu.dma_semaphore, #tpu.memory_space<semaphore_mem>>) src(%arg10 : memref<112x128xf32, #tpu.memory_space<vmem>>) dst(%dma_wait3A_55 : memref<112x128xf32, #tpu.memory_space<hbm>>)
    return
  }
}

module attributes {stable_mosaic.version = 14 : i64} {
  func.func @_feat_body(%arg0: i32, %arg1: memref<1x28x28x32x128xf32, #tpu.memory_space<vmem>>, %arg2: memref<1x32x128xf32, #tpu.memory_space<vmem>>) attributes {dimension_semantics = [#tpu.dimension_semantics<arbitrary>], iteration_bounds = array<i64: 16>, scalar_prefetch = 0 : i64, scratch_operands = 0 : i64, tpu.core_type = #tpu.core_type<tc>, window_params = [{transform_indices = @transform_0, window_bounds = array<i64: 1, 28, 28, 32, 128>}, {transform_indices = @transform_1, window_bounds = array<i64: 1, 32, 128>}]} {
    %get3A = arith.constant 0 : index
    %get3A_0 = arith.constant 0 : index
    %get3A_1 = arith.constant 0 : index
    %get3A_2 = arith.constant 0 : index
    %get3A_3 = arith.constant 0 : index
    %get3A_4 = vector.load %arg1[%get3A, %get3A_0, %get3A_1, %get3A_2, %get3A_3] : memref<1x28x28x32x128xf32, #tpu.memory_space<vmem>>, vector<1x28x28x32x128xf32>
    %get3A_5 = vector.shape_cast %get3A_4 : vector<1x28x28x32x128xf32> to vector<28x28x32x128xf32>
    %reduce_sum3A = arith.constant dense<0.000000e+00> : vector<32x128xf32>
    %reduce_sum3A_6 = vector.multi_reduction <add>, %get3A_5, %reduce_sum3A [0, 1] : vector<28x28x32x128xf32> to vector<32x128xf32>
    %div3A = arith.constant 7.840000e+02 : f32
    %div3A_7 = vector.broadcast %div3A : f32 to vector<32x128xf32>
    %div3A_8 = arith.divf %reduce_sum3A_6, %div3A_7 : vector<32x128xf32>
    %swap3A = arith.constant 0 : index
    %swap3A_9 = arith.constant 0 : index
    %swap3A_10 = arith.constant 0 : index
    %swap3A_11 = vector.load %arg2[%swap3A, %swap3A_9, %swap3A_10] : memref<1x32x128xf32, #tpu.memory_space<vmem>>, vector<1x32x128xf32>
    %swap3A_12 = vector.shape_cast %swap3A_11 : vector<1x32x128xf32> to vector<32x128xf32>
    %swap3A_13 = vector.shape_cast %div3A_8 : vector<32x128xf32> to vector<1x32x128xf32>
    tpu.vector_store %arg2[%swap3A, %swap3A_9, %swap3A_10], %swap3A_13 {strides = array<i32>} : memref<1x32x128xf32, #tpu.memory_space<vmem>>, vector<1x32x128xf32>,
    return
  }
  func.func @transform_0(%arg0: i32) -> (i32, i32, i32, i32, i32) {
    %c0_i32 = arith.constant 0 : i32
    %c0_i32_0 = arith.constant 0 : i32
    %c0_i32_1 = arith.constant 0 : i32
    %c0_i32_2 = arith.constant 0 : i32
    %c0_i32_3 = arith.constant 0 : i32
    return %arg0, %c0_i32, %c0_i32_0, %c0_i32_1, %c0_i32_2 : i32, i32, i32, i32, i32
  }
  func.func @transform_1(%arg0: i32) -> (i32, i32, i32) {
    %c0_i32 = arith.constant 0 : i32
    %c0_i32_0 = arith.constant 0 : i32
    %c0_i32_1 = arith.constant 0 : i32
    return %arg0, %c0_i32, %c0_i32_0 : i32, i32, i32
  }
}

module attributes {stable_mosaic.version = 14 : i64} {
  func.func @_rank_body(%arg0: memref<16x32x128xf32, #tpu.memory_space<vmem>>, %arg1: memref<1x128xf32, #tpu.memory_space<vmem>>, %arg2: memref<28x28x28x16xi32, #tpu.memory_space<vmem>>, %arg3: memref<16x28x28x4xi32, #tpu.memory_space<vmem>>) attributes {dimension_semantics = [], scalar_prefetch = 0 : i64, scratch_operands = 0 : i64, tpu.core_type = #tpu.core_type<tc>} {
    %get3A = arith.constant 0 : index
    %get3A_0 = arith.constant 0 : index
    %get3A_1 = arith.constant 0 : index
    %get3A_2 = vector.load %arg0[%get3A, %get3A_0, %get3A_1] : memref<16x32x128xf32, #tpu.memory_space<vmem>>, vector<16x32x128xf32>
    %convert_element_type3A = arith.truncf %get3A_2 : vector<16x32x128xf32> to vector<16x32x128xbf16>
    %convert_element_type3A_3 = arith.extf %convert_element_type3A : vector<16x32x128xbf16> to vector<16x32x128xf32>
    %get3A_4 = arith.constant 0 : index
    %get3A_5 = arith.constant 0 : index
    %get3A_6 = vector.load %arg1[%get3A_4, %get3A_5] : memref<1x128xf32, #tpu.memory_space<vmem>>, vector<1x128xf32>
    %convert_element_type3A_7 = arith.truncf %get3A_6 : vector<1x128xf32> to vector<1x128xbf16>
    %convert_element_type3A_8 = arith.extf %convert_element_type3A_7 : vector<1x128xbf16> to vector<1x128xf32>
    %squeeze3A = vector.shape_cast %convert_element_type3A_8 : vector<1x128xf32> to vector<128xf32>
    %broadcast_in_dim3A = vector.shape_cast %squeeze3A : vector<128xf32> to vector<1x1x128xf32>
    %mul3A = vector.broadcast %broadcast_in_dim3A : vector<1x1x128xf32> to vector<16x32x128xf32>
    %mul3A_9 = arith.mulf %convert_element_type3A_3, %mul3A : vector<16x32x128xf32>
    %reduce_sum3A = arith.constant dense<0.000000e+00> : vector<16x32xf32>
    %reduce_sum3A_10 = vector.multi_reduction <add>, %mul3A_9, %reduce_sum3A [2] : vector<16x32x128xf32> to vector<16x32xf32>
    %iota3A = tpu.iota {dimensions = array<i32: 1>} : vector<16x32xi32>
    %broadcast_in_dim3A_11 = arith.constant 0 : i32
    %broadcast_in_dim3A_12 = vector.broadcast %broadcast_in_dim3A_11 : i32 to vector<16x32xi32>
    %slice3A = vector.extract_strided_slice %reduce_sum3A_10 {offsets = [0, 0], sizes = [16, 1], strides = [1, 1]} : vector<16x32xf32> to vector<16x1xf32>
    %gt3A = vector.broadcast %slice3A : vector<16x1xf32> to vector<16x32xf32>
    %gt3A_13 = arith.cmpf ogt, %gt3A, %reduce_sum3A_10 : vector<16x32xf32>
    %eq3A = vector.broadcast %slice3A : vector<16x1xf32> to vector<16x32xf32>
    %eq3A_14 = arith.cmpf oeq, %eq3A, %reduce_sum3A_10 : vector<16x32xf32>
    %gt3A_15 = arith.constant 0 : i32
    %gt3A_16 = vector.broadcast %gt3A_15 : i32 to vector<16x32xi32>
    %gt3A_17 = arith.cmpi sgt, %iota3A, %gt3A_16 : vector<16x32xi32>
    %and3A = arith.andi %eq3A_14, %gt3A_17 : vector<16x32xi1>
    %or3A = arith.ori %gt3A_13, %and3A : vector<16x32xi1>
    %convert_element_type3A_18 = arith.extui %or3A : vector<16x32xi1> to vector<16x32xi32>
    %add3A = arith.addi %broadcast_in_dim3A_12, %convert_element_type3A_18 : vector<16x32xi32>
    %slice3A_19 = vector.extract_strided_slice %reduce_sum3A_10 {offsets = [0, 1], sizes = [16, 1], strides = [1, 1]} : vector<16x32xf32> to vector<16x1xf32>
    %gt3A_20 = vector.broadcast %slice3A_19 : vector<16x1xf32> to vector<16x32xf32>
    %gt3A_21 = arith.cmpf ogt, %gt3A_20, %reduce_sum3A_10 : vector<16x32xf32>
    %eq3A_22 = vector.broadcast %slice3A_19 : vector<16x1xf32> to vector<16x32xf32>
    %eq3A_23 = arith.cmpf oeq, %eq3A_22, %reduce_sum3A_10 : vector<16x32xf32>
    %gt3A_24 = arith.constant 1 : i32
    %gt3A_25 = vector.broadcast %gt3A_24 : i32 to vector<16x32xi32>
    %gt3A_26 = arith.cmpi sgt, %iota3A, %gt3A_25 : vector<16x32xi32>
    %and3A_27 = arith.andi %eq3A_23, %gt3A_26 : vector<16x32xi1>
    %or3A_28 = arith.ori %gt3A_21, %and3A_27 : vector<16x32xi1>
    %convert_element_type3A_29 = arith.extui %or3A_28 : vector<16x32xi1> to vector<16x32xi32>
    %add3A_30 = arith.addi %add3A, %convert_element_type3A_29 : vector<16x32xi32>
    %slice3A_31 = vector.extract_strided_slice %reduce_sum3A_10 {offsets = [0, 2], sizes = [16, 1], strides = [1, 1]} : vector<16x32xf32> to vector<16x1xf32>
    %gt3A_32 = vector.broadcast %slice3A_31 : vector<16x1xf32> to vector<16x32xf32>
    %gt3A_33 = arith.cmpf ogt, %gt3A_32, %reduce_sum3A_10 : vector<16x32xf32>
    %eq3A_34 = vector.broadcast %slice3A_31 : vector<16x1xf32> to vector<16x32xf32>
    %eq3A_35 = arith.cmpf oeq, %eq3A_34, %reduce_sum3A_10 : vector<16x32xf32>
    %gt3A_36 = arith.constant 2 : i32
    %gt3A_37 = vector.broadcast %gt3A_36 : i32 to vector<16x32xi32>
    %gt3A_38 = arith.cmpi sgt, %iota3A, %gt3A_37 : vector<16x32xi32>
    %and3A_39 = arith.andi %eq3A_35, %gt3A_38 : vector<16x32xi1>
    %or3A_40 = arith.ori %gt3A_33, %and3A_39 : vector<16x32xi1>
    %convert_element_type3A_41 = arith.extui %or3A_40 : vector<16x32xi1> to vector<16x32xi32>
    %add3A_42 = arith.addi %add3A_30, %convert_element_type3A_41 : vector<16x32xi32>
    %slice3A_43 = vector.extract_strided_slice %reduce_sum3A_10 {offsets = [0, 3], sizes = [16, 1], strides = [1, 1]} : vector<16x32xf32> to vector<16x1xf32>
    %gt3A_44 = vector.broadcast %slice3A_43 : vector<16x1xf32> to vector<16x32xf32>
    %gt3A_45 = arith.cmpf ogt, %gt3A_44, %reduce_sum3A_10 : vector<16x32xf32>
    %eq3A_46 = vector.broadcast %slice3A_43 : vector<16x1xf32> to vector<16x32xf32>
    %eq3A_47 = arith.cmpf oeq, %eq3A_46, %reduce_sum3A_10 : vector<16x32xf32>
    %gt3A_48 = arith.constant 3 : i32
    %gt3A_49 = vector.broadcast %gt3A_48 : i32 to vector<16x32xi32>
    %gt3A_50 = arith.cmpi sgt, %iota3A, %gt3A_49 : vector<16x32xi32>
    %and3A_51 = arith.andi %eq3A_47, %gt3A_50 : vector<16x32xi1>
    %or3A_52 = arith.ori %gt3A_45, %and3A_51 : vector<16x32xi1>
    %convert_element_type3A_53 = arith.extui %or3A_52 : vector<16x32xi1> to vector<16x32xi32>
    %add3A_54 = arith.addi %add3A_42, %convert_element_type3A_53 : vector<16x32xi32>
    %slice3A_55 = vector.extract_strided_slice %reduce_sum3A_10 {offsets = [0, 4], sizes = [16, 1], strides = [1, 1]} : vector<16x32xf32> to vector<16x1xf32>
    %gt3A_56 = vector.broadcast %slice3A_55 : vector<16x1xf32> to vector<16x32xf32>
    %gt3A_57 = arith.cmpf ogt, %gt3A_56, %reduce_sum3A_10 : vector<16x32xf32>
    %eq3A_58 = vector.broadcast %slice3A_55 : vector<16x1xf32> to vector<16x32xf32>
    %eq3A_59 = arith.cmpf oeq, %eq3A_58, %reduce_sum3A_10 : vector<16x32xf32>
    %gt3A_60 = arith.constant 4 : i32
    %gt3A_61 = vector.broadcast %gt3A_60 : i32 to vector<16x32xi32>
    %gt3A_62 = arith.cmpi sgt, %iota3A, %gt3A_61 : vector<16x32xi32>
    %and3A_63 = arith.andi %eq3A_59, %gt3A_62 : vector<16x32xi1>
    %or3A_64 = arith.ori %gt3A_57, %and3A_63 : vector<16x32xi1>
    %convert_element_type3A_65 = arith.extui %or3A_64 : vector<16x32xi1> to vector<16x32xi32>
    %add3A_66 = arith.addi %add3A_54, %convert_element_type3A_65 : vector<16x32xi32>
    %slice3A_67 = vector.extract_strided_slice %reduce_sum3A_10 {offsets = [0, 5], sizes = [16, 1], strides = [1, 1]} : vector<16x32xf32> to vector<16x1xf32>
    %gt3A_68 = vector.broadcast %slice3A_67 : vector<16x1xf32> to vector<16x32xf32>
    %gt3A_69 = arith.cmpf ogt, %gt3A_68, %reduce_sum3A_10 : vector<16x32xf32>
    %eq3A_70 = vector.broadcast %slice3A_67 : vector<16x1xf32> to vector<16x32xf32>
    %eq3A_71 = arith.cmpf oeq, %eq3A_70, %reduce_sum3A_10 : vector<16x32xf32>
    %gt3A_72 = arith.constant 5 : i32
    %gt3A_73 = vector.broadcast %gt3A_72 : i32 to vector<16x32xi32>
    %gt3A_74 = arith.cmpi sgt, %iota3A, %gt3A_73 : vector<16x32xi32>
    %and3A_75 = arith.andi %eq3A_71, %gt3A_74 : vector<16x32xi1>
    %or3A_76 = arith.ori %gt3A_69, %and3A_75 : vector<16x32xi1>
    %convert_element_type3A_77 = arith.extui %or3A_76 : vector<16x32xi1> to vector<16x32xi32>
    %add3A_78 = arith.addi %add3A_66, %convert_element_type3A_77 : vector<16x32xi32>
    %slice3A_79 = vector.extract_strided_slice %reduce_sum3A_10 {offsets = [0, 6], sizes = [16, 1], strides = [1, 1]} : vector<16x32xf32> to vector<16x1xf32>
    %gt3A_80 = vector.broadcast %slice3A_79 : vector<16x1xf32> to vector<16x32xf32>
    %gt3A_81 = arith.cmpf ogt, %gt3A_80, %reduce_sum3A_10 : vector<16x32xf32>
    %eq3A_82 = vector.broadcast %slice3A_79 : vector<16x1xf32> to vector<16x32xf32>
    %eq3A_83 = arith.cmpf oeq, %eq3A_82, %reduce_sum3A_10 : vector<16x32xf32>
    %gt3A_84 = arith.constant 6 : i32
    %gt3A_85 = vector.broadcast %gt3A_84 : i32 to vector<16x32xi32>
    %gt3A_86 = arith.cmpi sgt, %iota3A, %gt3A_85 : vector<16x32xi32>
    %and3A_87 = arith.andi %eq3A_83, %gt3A_86 : vector<16x32xi1>
    %or3A_88 = arith.ori %gt3A_81, %and3A_87 : vector<16x32xi1>
    %convert_element_type3A_89 = arith.extui %or3A_88 : vector<16x32xi1> to vector<16x32xi32>
    %add3A_90 = arith.addi %add3A_78, %convert_element_type3A_89 : vector<16x32xi32>
    %slice3A_91 = vector.extract_strided_slice %reduce_sum3A_10 {offsets = [0, 7], sizes = [16, 1], strides = [1, 1]} : vector<16x32xf32> to vector<16x1xf32>
    %gt3A_92 = vector.broadcast %slice3A_91 : vector<16x1xf32> to vector<16x32xf32>
    %gt3A_93 = arith.cmpf ogt, %gt3A_92, %reduce_sum3A_10 : vector<16x32xf32>
    %eq3A_94 = vector.broadcast %slice3A_91 : vector<16x1xf32> to vector<16x32xf32>
    %eq3A_95 = arith.cmpf oeq, %eq3A_94, %reduce_sum3A_10 : vector<16x32xf32>
    %gt3A_96 = arith.constant 7 : i32
    %gt3A_97 = vector.broadcast %gt3A_96 : i32 to vector<16x32xi32>
    %gt3A_98 = arith.cmpi sgt, %iota3A, %gt3A_97 : vector<16x32xi32>
    %and3A_99 = arith.andi %eq3A_95, %gt3A_98 : vector<16x32xi1>
    %or3A_100 = arith.ori %gt3A_93, %and3A_99 : vector<16x32xi1>
    %convert_element_type3A_101 = arith.extui %or3A_100 : vector<16x32xi1> to vector<16x32xi32>
    %add3A_102 = arith.addi %add3A_90, %convert_element_type3A_101 : vector<16x32xi32>
    %slice3A_103 = vector.extract_strided_slice %reduce_sum3A_10 {offsets = [0, 8], sizes = [16, 1], strides = [1, 1]} : vector<16x32xf32> to vector<16x1xf32>
    %gt3A_104 = vector.broadcast %slice3A_103 : vector<16x1xf32> to vector<16x32xf32>
    %gt3A_105 = arith.cmpf ogt, %gt3A_104, %reduce_sum3A_10 : vector<16x32xf32>
    %eq3A_106 = vector.broadcast %slice3A_103 : vector<16x1xf32> to vector<16x32xf32>
    %eq3A_107 = arith.cmpf oeq, %eq3A_106, %reduce_sum3A_10 : vector<16x32xf32>
    %gt3A_108 = arith.constant 8 : i32
    %gt3A_109 = vector.broadcast %gt3A_108 : i32 to vector<16x32xi32>
    %gt3A_110 = arith.cmpi sgt, %iota3A, %gt3A_109 : vector<16x32xi32>
    %and3A_111 = arith.andi %eq3A_107, %gt3A_110 : vector<16x32xi1>
    %or3A_112 = arith.ori %gt3A_105, %and3A_111 : vector<16x32xi1>
    %convert_element_type3A_113 = arith.extui %or3A_112 : vector<16x32xi1> to vector<16x32xi32>
    %add3A_114 = arith.addi %add3A_102, %convert_element_type3A_113 : vector<16x32xi32>
    %slice3A_115 = vector.extract_strided_slice %reduce_sum3A_10 {offsets = [0, 9], sizes = [16, 1], strides = [1, 1]} : vector<16x32xf32> to vector<16x1xf32>
    %gt3A_116 = vector.broadcast %slice3A_115 : vector<16x1xf32> to vector<16x32xf32>
    %gt3A_117 = arith.cmpf ogt, %gt3A_116, %reduce_sum3A_10 : vector<16x32xf32>
    %eq3A_118 = vector.broadcast %slice3A_115 : vector<16x1xf32> to vector<16x32xf32>
    %eq3A_119 = arith.cmpf oeq, %eq3A_118, %reduce_sum3A_10 : vector<16x32xf32>
    %gt3A_120 = arith.constant 9 : i32
    %gt3A_121 = vector.broadcast %gt3A_120 : i32 to vector<16x32xi32>
    %gt3A_122 = arith.cmpi sgt, %iota3A, %gt3A_121 : vector<16x32xi32>
    %and3A_123 = arith.andi %eq3A_119, %gt3A_122 : vector<16x32xi1>
    %or3A_124 = arith.ori %gt3A_117, %and3A_123 : vector<16x32xi1>
    %convert_element_type3A_125 = arith.extui %or3A_124 : vector<16x32xi1> to vector<16x32xi32>
    %add3A_126 = arith.addi %add3A_114, %convert_element_type3A_125 : vector<16x32xi32>
    %slice3A_127 = vector.extract_strided_slice %reduce_sum3A_10 {offsets = [0, 10], sizes = [16, 1], strides = [1, 1]} : vector<16x32xf32> to vector<16x1xf32>
    %gt3A_128 = vector.broadcast %slice3A_127 : vector<16x1xf32> to vector<16x32xf32>
    %gt3A_129 = arith.cmpf ogt, %gt3A_128, %reduce_sum3A_10 : vector<16x32xf32>
    %eq3A_130 = vector.broadcast %slice3A_127 : vector<16x1xf32> to vector<16x32xf32>
    %eq3A_131 = arith.cmpf oeq, %eq3A_130, %reduce_sum3A_10 : vector<16x32xf32>
    %gt3A_132 = arith.constant 10 : i32
    %gt3A_133 = vector.broadcast %gt3A_132 : i32 to vector<16x32xi32>
    %gt3A_134 = arith.cmpi sgt, %iota3A, %gt3A_133 : vector<16x32xi32>
    %and3A_135 = arith.andi %eq3A_131, %gt3A_134 : vector<16x32xi1>
    %or3A_136 = arith.ori %gt3A_129, %and3A_135 : vector<16x32xi1>
    %convert_element_type3A_137 = arith.extui %or3A_136 : vector<16x32xi1> to vector<16x32xi32>
    %add3A_138 = arith.addi %add3A_126, %convert_element_type3A_137 : vector<16x32xi32>
    %slice3A_139 = vector.extract_strided_slice %reduce_sum3A_10 {offsets = [0, 11], sizes = [16, 1], strides = [1, 1]} : vector<16x32xf32> to vector<16x1xf32>
    %gt3A_140 = vector.broadcast %slice3A_139 : vector<16x1xf32> to vector<16x32xf32>
    %gt3A_141 = arith.cmpf ogt, %gt3A_140, %reduce_sum3A_10 : vector<16x32xf32>
    %eq3A_142 = vector.broadcast %slice3A_139 : vector<16x1xf32> to vector<16x32xf32>
    %eq3A_143 = arith.cmpf oeq, %eq3A_142, %reduce_sum3A_10 : vector<16x32xf32>
    %gt3A_144 = arith.constant 11 : i32
    %gt3A_145 = vector.broadcast %gt3A_144 : i32 to vector<16x32xi32>
    %gt3A_146 = arith.cmpi sgt, %iota3A, %gt3A_145 : vector<16x32xi32>
    %and3A_147 = arith.andi %eq3A_143, %gt3A_146 : vector<16x32xi1>
    %or3A_148 = arith.ori %gt3A_141, %and3A_147 : vector<16x32xi1>
    %convert_element_type3A_149 = arith.extui %or3A_148 : vector<16x32xi1> to vector<16x32xi32>
    %add3A_150 = arith.addi %add3A_138, %convert_element_type3A_149 : vector<16x32xi32>
    %slice3A_151 = vector.extract_strided_slice %reduce_sum3A_10 {offsets = [0, 12], sizes = [16, 1], strides = [1, 1]} : vector<16x32xf32> to vector<16x1xf32>
    %gt3A_152 = vector.broadcast %slice3A_151 : vector<16x1xf32> to vector<16x32xf32>
    %gt3A_153 = arith.cmpf ogt, %gt3A_152, %reduce_sum3A_10 : vector<16x32xf32>
    %eq3A_154 = vector.broadcast %slice3A_151 : vector<16x1xf32> to vector<16x32xf32>
    %eq3A_155 = arith.cmpf oeq, %eq3A_154, %reduce_sum3A_10 : vector<16x32xf32>
    %gt3A_156 = arith.constant 12 : i32
    %gt3A_157 = vector.broadcast %gt3A_156 : i32 to vector<16x32xi32>
    %gt3A_158 = arith.cmpi sgt, %iota3A, %gt3A_157 : vector<16x32xi32>
    %and3A_159 = arith.andi %eq3A_155, %gt3A_158 : vector<16x32xi1>
    %or3A_160 = arith.ori %gt3A_153, %and3A_159 : vector<16x32xi1>
    %convert_element_type3A_161 = arith.extui %or3A_160 : vector<16x32xi1> to vector<16x32xi32>
    %add3A_162 = arith.addi %add3A_150, %convert_element_type3A_161 : vector<16x32xi32>
    %slice3A_163 = vector.extract_strided_slice %reduce_sum3A_10 {offsets = [0, 13], sizes = [16, 1], strides = [1, 1]} : vector<16x32xf32> to vector<16x1xf32>
    %gt3A_164 = vector.broadcast %slice3A_163 : vector<16x1xf32> to vector<16x32xf32>
    %gt3A_165 = arith.cmpf ogt, %gt3A_164, %reduce_sum3A_10 : vector<16x32xf32>
    %eq3A_166 = vector.broadcast %slice3A_163 : vector<16x1xf32> to vector<16x32xf32>
    %eq3A_167 = arith.cmpf oeq, %eq3A_166, %reduce_sum3A_10 : vector<16x32xf32>
    %gt3A_168 = arith.constant 13 : i32
    %gt3A_169 = vector.broadcast %gt3A_168 : i32 to vector<16x32xi32>
    %gt3A_170 = arith.cmpi sgt, %iota3A, %gt3A_169 : vector<16x32xi32>
    %and3A_171 = arith.andi %eq3A_167, %gt3A_170 : vector<16x32xi1>
    %or3A_172 = arith.ori %gt3A_165, %and3A_171 : vector<16x32xi1>
    %convert_element_type3A_173 = arith.extui %or3A_172 : vector<16x32xi1> to vector<16x32xi32>
    %add3A_174 = arith.addi %add3A_162, %convert_element_type3A_173 : vector<16x32xi32>
    %slice3A_175 = vector.extract_strided_slice %reduce_sum3A_10 {offsets = [0, 14], sizes = [16, 1], strides = [1, 1]} : vector<16x32xf32> to vector<16x1xf32>
    %gt3A_176 = vector.broadcast %slice3A_175 : vector<16x1xf32> to vector<16x32xf32>
    %gt3A_177 = arith.cmpf ogt, %gt3A_176, %reduce_sum3A_10 : vector<16x32xf32>
    %eq3A_178 = vector.broadcast %slice3A_175 : vector<16x1xf32> to vector<16x32xf32>
    %eq3A_179 = arith.cmpf oeq, %eq3A_178, %reduce_sum3A_10 : vector<16x32xf32>
    %gt3A_180 = arith.constant 14 : i32
    %gt3A_181 = vector.broadcast %gt3A_180 : i32 to vector<16x32xi32>
    %gt3A_182 = arith.cmpi sgt, %iota3A, %gt3A_181 : vector<16x32xi32>
    %and3A_183 = arith.andi %eq3A_179, %gt3A_182 : vector<16x32xi1>
    %or3A_184 = arith.ori %gt3A_177, %and3A_183 : vector<16x32xi1>
    %convert_element_type3A_185 = arith.extui %or3A_184 : vector<16x32xi1> to vector<16x32xi32>
    %add3A_186 = arith.addi %add3A_174, %convert_element_type3A_185 : vector<16x32xi32>
    %slice3A_187 = vector.extract_strided_slice %reduce_sum3A_10 {offsets = [0, 15], sizes = [16, 1], strides = [1, 1]} : vector<16x32xf32> to vector<16x1xf32>
    %gt3A_188 = vector.broadcast %slice3A_187 : vector<16x1xf32> to vector<16x32xf32>
    %gt3A_189 = arith.cmpf ogt, %gt3A_188, %reduce_sum3A_10 : vector<16x32xf32>
    %eq3A_190 = vector.broadcast %slice3A_187 : vector<16x1xf32> to vector<16x32xf32>
    %eq3A_191 = arith.cmpf oeq, %eq3A_190, %reduce_sum3A_10 : vector<16x32xf32>
    %gt3A_192 = arith.constant 15 : i32
    %gt3A_193 = vector.broadcast %gt3A_192 : i32 to vector<16x32xi32>
    %gt3A_194 = arith.cmpi sgt, %iota3A, %gt3A_193 : vector<16x32xi32>
    %and3A_195 = arith.andi %eq3A_191, %gt3A_194 : vector<16x32xi1>
    %or3A_196 = arith.ori %gt3A_189, %and3A_195 : vector<16x32xi1>
    %convert_element_type3A_197 = arith.extui %or3A_196 : vector<16x32xi1> to vector<16x32xi32>
    %add3A_198 = arith.addi %add3A_186, %convert_element_type3A_197 : vector<16x32xi32>
    %slice3A_199 = vector.extract_strided_slice %reduce_sum3A_10 {offsets = [0, 16], sizes = [16, 1], strides = [1, 1]} : vector<16x32xf32> to vector<16x1xf32>
    %gt3A_200 = vector.broadcast %slice3A_199 : vector<16x1xf32> to vector<16x32xf32>
    %gt3A_201 = arith.cmpf ogt, %gt3A_200, %reduce_sum3A_10 : vector<16x32xf32>
    %eq3A_202 = vector.broadcast %slice3A_199 : vector<16x1xf32> to vector<16x32xf32>
    %eq3A_203 = arith.cmpf oeq, %eq3A_202, %reduce_sum3A_10 : vector<16x32xf32>
    %gt3A_204 = arith.constant 16 : i32
    %gt3A_205 = vector.broadcast %gt3A_204 : i32 to vector<16x32xi32>
    %gt3A_206 = arith.cmpi sgt, %iota3A, %gt3A_205 : vector<16x32xi32>
    %and3A_207 = arith.andi %eq3A_203, %gt3A_206 : vector<16x32xi1>
    %or3A_208 = arith.ori %gt3A_201, %and3A_207 : vector<16x32xi1>
    %convert_element_type3A_209 = arith.extui %or3A_208 : vector<16x32xi1> to vector<16x32xi32>
    %add3A_210 = arith.addi %add3A_198, %convert_element_type3A_209 : vector<16x32xi32>
    %slice3A_211 = vector.extract_strided_slice %reduce_sum3A_10 {offsets = [0, 17], sizes = [16, 1], strides = [1, 1]} : vector<16x32xf32> to vector<16x1xf32>
    %gt3A_212 = vector.broadcast %slice3A_211 : vector<16x1xf32> to vector<16x32xf32>
    %gt3A_213 = arith.cmpf ogt, %gt3A_212, %reduce_sum3A_10 : vector<16x32xf32>
    %eq3A_214 = vector.broadcast %slice3A_211 : vector<16x1xf32> to vector<16x32xf32>
    %eq3A_215 = arith.cmpf oeq, %eq3A_214, %reduce_sum3A_10 : vector<16x32xf32>
    %gt3A_216 = arith.constant 17 : i32
    %gt3A_217 = vector.broadcast %gt3A_216 : i32 to vector<16x32xi32>
    %gt3A_218 = arith.cmpi sgt, %iota3A, %gt3A_217 : vector<16x32xi32>
    %and3A_219 = arith.andi %eq3A_215, %gt3A_218 : vector<16x32xi1>
    %or3A_220 = arith.ori %gt3A_213, %and3A_219 : vector<16x32xi1>
    %convert_element_type3A_221 = arith.extui %or3A_220 : vector<16x32xi1> to vector<16x32xi32>
    %add3A_222 = arith.addi %add3A_210, %convert_element_type3A_221 : vector<16x32xi32>
    %slice3A_223 = vector.extract_strided_slice %reduce_sum3A_10 {offsets = [0, 18], sizes = [16, 1], strides = [1, 1]} : vector<16x32xf32> to vector<16x1xf32>
    %gt3A_224 = vector.broadcast %slice3A_223 : vector<16x1xf32> to vector<16x32xf32>
    %gt3A_225 = arith.cmpf ogt, %gt3A_224, %reduce_sum3A_10 : vector<16x32xf32>
    %eq3A_226 = vector.broadcast %slice3A_223 : vector<16x1xf32> to vector<16x32xf32>
    %eq3A_227 = arith.cmpf oeq, %eq3A_226, %reduce_sum3A_10 : vector<16x32xf32>
    %gt3A_228 = arith.constant 18 : i32
    %gt3A_229 = vector.broadcast %gt3A_228 : i32 to vector<16x32xi32>
    %gt3A_230 = arith.cmpi sgt, %iota3A, %gt3A_229 : vector<16x32xi32>
    %and3A_231 = arith.andi %eq3A_227, %gt3A_230 : vector<16x32xi1>
    %or3A_232 = arith.ori %gt3A_225, %and3A_231 : vector<16x32xi1>
    %convert_element_type3A_233 = arith.extui %or3A_232 : vector<16x32xi1> to vector<16x32xi32>
    %add3A_234 = arith.addi %add3A_222, %convert_element_type3A_233 : vector<16x32xi32>
    %slice3A_235 = vector.extract_strided_slice %reduce_sum3A_10 {offsets = [0, 19], sizes = [16, 1], strides = [1, 1]} : vector<16x32xf32> to vector<16x1xf32>
    %gt3A_236 = vector.broadcast %slice3A_235 : vector<16x1xf32> to vector<16x32xf32>
    %gt3A_237 = arith.cmpf ogt, %gt3A_236, %reduce_sum3A_10 : vector<16x32xf32>
    %eq3A_238 = vector.broadcast %slice3A_235 : vector<16x1xf32> to vector<16x32xf32>
    %eq3A_239 = arith.cmpf oeq, %eq3A_238, %reduce_sum3A_10 : vector<16x32xf32>
    %gt3A_240 = arith.constant 19 : i32
    %gt3A_241 = vector.broadcast %gt3A_240 : i32 to vector<16x32xi32>
    %gt3A_242 = arith.cmpi sgt, %iota3A, %gt3A_241 : vector<16x32xi32>
    %and3A_243 = arith.andi %eq3A_239, %gt3A_242 : vector<16x32xi1>
    %or3A_244 = arith.ori %gt3A_237, %and3A_243 : vector<16x32xi1>
    %convert_element_type3A_245 = arith.extui %or3A_244 : vector<16x32xi1> to vector<16x32xi32>
    %add3A_246 = arith.addi %add3A_234, %convert_element_type3A_245 : vector<16x32xi32>
    %slice3A_247 = vector.extract_strided_slice %reduce_sum3A_10 {offsets = [0, 20], sizes = [16, 1], strides = [1, 1]} : vector<16x32xf32> to vector<16x1xf32>
    %gt3A_248 = vector.broadcast %slice3A_247 : vector<16x1xf32> to vector<16x32xf32>
    %gt3A_249 = arith.cmpf ogt, %gt3A_248, %reduce_sum3A_10 : vector<16x32xf32>
    %eq3A_250 = vector.broadcast %slice3A_247 : vector<16x1xf32> to vector<16x32xf32>
    %eq3A_251 = arith.cmpf oeq, %eq3A_250, %reduce_sum3A_10 : vector<16x32xf32>
    %gt3A_252 = arith.constant 20 : i32
    %gt3A_253 = vector.broadcast %gt3A_252 : i32 to vector<16x32xi32>
    %gt3A_254 = arith.cmpi sgt, %iota3A, %gt3A_253 : vector<16x32xi32>
    %and3A_255 = arith.andi %eq3A_251, %gt3A_254 : vector<16x32xi1>
    %or3A_256 = arith.ori %gt3A_249, %and3A_255 : vector<16x32xi1>
    %convert_element_type3A_257 = arith.extui %or3A_256 : vector<16x32xi1> to vector<16x32xi32>
    %add3A_258 = arith.addi %add3A_246, %convert_element_type3A_257 : vector<16x32xi32>
    %slice3A_259 = vector.extract_strided_slice %reduce_sum3A_10 {offsets = [0, 21], sizes = [16, 1], strides = [1, 1]} : vector<16x32xf32> to vector<16x1xf32>
    %gt3A_260 = vector.broadcast %slice3A_259 : vector<16x1xf32> to vector<16x32xf32>
    %gt3A_261 = arith.cmpf ogt, %gt3A_260, %reduce_sum3A_10 : vector<16x32xf32>
    %eq3A_262 = vector.broadcast %slice3A_259 : vector<16x1xf32> to vector<16x32xf32>
    %eq3A_263 = arith.cmpf oeq, %eq3A_262, %reduce_sum3A_10 : vector<16x32xf32>
    %gt3A_264 = arith.constant 21 : i32
    %gt3A_265 = vector.broadcast %gt3A_264 : i32 to vector<16x32xi32>
    %gt3A_266 = arith.cmpi sgt, %iota3A, %gt3A_265 : vector<16x32xi32>
    %and3A_267 = arith.andi %eq3A_263, %gt3A_266 : vector<16x32xi1>
    %or3A_268 = arith.ori %gt3A_261, %and3A_267 : vector<16x32xi1>
    %convert_element_type3A_269 = arith.extui %or3A_268 : vector<16x32xi1> to vector<16x32xi32>
    %add3A_270 = arith.addi %add3A_258, %convert_element_type3A_269 : vector<16x32xi32>
    %slice3A_271 = vector.extract_strided_slice %reduce_sum3A_10 {offsets = [0, 22], sizes = [16, 1], strides = [1, 1]} : vector<16x32xf32> to vector<16x1xf32>
    %gt3A_272 = vector.broadcast %slice3A_271 : vector<16x1xf32> to vector<16x32xf32>
    %gt3A_273 = arith.cmpf ogt, %gt3A_272, %reduce_sum3A_10 : vector<16x32xf32>
    %eq3A_274 = vector.broadcast %slice3A_271 : vector<16x1xf32> to vector<16x32xf32>
    %eq3A_275 = arith.cmpf oeq, %eq3A_274, %reduce_sum3A_10 : vector<16x32xf32>
    %gt3A_276 = arith.constant 22 : i32
    %gt3A_277 = vector.broadcast %gt3A_276 : i32 to vector<16x32xi32>
    %gt3A_278 = arith.cmpi sgt, %iota3A, %gt3A_277 : vector<16x32xi32>
    %and3A_279 = arith.andi %eq3A_275, %gt3A_278 : vector<16x32xi1>
    %or3A_280 = arith.ori %gt3A_273, %and3A_279 : vector<16x32xi1>
    %convert_element_type3A_281 = arith.extui %or3A_280 : vector<16x32xi1> to vector<16x32xi32>
    %add3A_282 = arith.addi %add3A_270, %convert_element_type3A_281 : vector<16x32xi32>
    %slice3A_283 = vector.extract_strided_slice %reduce_sum3A_10 {offsets = [0, 23], sizes = [16, 1], strides = [1, 1]} : vector<16x32xf32> to vector<16x1xf32>
    %gt3A_284 = vector.broadcast %slice3A_283 : vector<16x1xf32> to vector<16x32xf32>
    %gt3A_285 = arith.cmpf ogt, %gt3A_284, %reduce_sum3A_10 : vector<16x32xf32>
    %eq3A_286 = vector.broadcast %slice3A_283 : vector<16x1xf32> to vector<16x32xf32>
    %eq3A_287 = arith.cmpf oeq, %eq3A_286, %reduce_sum3A_10 : vector<16x32xf32>
    %gt3A_288 = arith.constant 23 : i32
    %gt3A_289 = vector.broadcast %gt3A_288 : i32 to vector<16x32xi32>
    %gt3A_290 = arith.cmpi sgt, %iota3A, %gt3A_289 : vector<16x32xi32>
    %and3A_291 = arith.andi %eq3A_287, %gt3A_290 : vector<16x32xi1>
    %or3A_292 = arith.ori %gt3A_285, %and3A_291 : vector<16x32xi1>
    %convert_element_type3A_293 = arith.extui %or3A_292 : vector<16x32xi1> to vector<16x32xi32>
    %add3A_294 = arith.addi %add3A_282, %convert_element_type3A_293 : vector<16x32xi32>
    %slice3A_295 = vector.extract_strided_slice %reduce_sum3A_10 {offsets = [0, 24], sizes = [16, 1], strides = [1, 1]} : vector<16x32xf32> to vector<16x1xf32>
    %gt3A_296 = vector.broadcast %slice3A_295 : vector<16x1xf32> to vector<16x32xf32>
    %gt3A_297 = arith.cmpf ogt, %gt3A_296, %reduce_sum3A_10 : vector<16x32xf32>
    %eq3A_298 = vector.broadcast %slice3A_295 : vector<16x1xf32> to vector<16x32xf32>
    %eq3A_299 = arith.cmpf oeq, %eq3A_298, %reduce_sum3A_10 : vector<16x32xf32>
    %gt3A_300 = arith.constant 24 : i32
    %gt3A_301 = vector.broadcast %gt3A_300 : i32 to vector<16x32xi32>
    %gt3A_302 = arith.cmpi sgt, %iota3A, %gt3A_301 : vector<16x32xi32>
    %and3A_303 = arith.andi %eq3A_299, %gt3A_302 : vector<16x32xi1>
    %or3A_304 = arith.ori %gt3A_297, %and3A_303 : vector<16x32xi1>
    %convert_element_type3A_305 = arith.extui %or3A_304 : vector<16x32xi1> to vector<16x32xi32>
    %add3A_306 = arith.addi %add3A_294, %convert_element_type3A_305 : vector<16x32xi32>
    %slice3A_307 = vector.extract_strided_slice %reduce_sum3A_10 {offsets = [0, 25], sizes = [16, 1], strides = [1, 1]} : vector<16x32xf32> to vector<16x1xf32>
    %gt3A_308 = vector.broadcast %slice3A_307 : vector<16x1xf32> to vector<16x32xf32>
    %gt3A_309 = arith.cmpf ogt, %gt3A_308, %reduce_sum3A_10 : vector<16x32xf32>
    %eq3A_310 = vector.broadcast %slice3A_307 : vector<16x1xf32> to vector<16x32xf32>
    %eq3A_311 = arith.cmpf oeq, %eq3A_310, %reduce_sum3A_10 : vector<16x32xf32>
    %gt3A_312 = arith.constant 25 : i32
    %gt3A_313 = vector.broadcast %gt3A_312 : i32 to vector<16x32xi32>
    %gt3A_314 = arith.cmpi sgt, %iota3A, %gt3A_313 : vector<16x32xi32>
    %and3A_315 = arith.andi %eq3A_311, %gt3A_314 : vector<16x32xi1>
    %or3A_316 = arith.ori %gt3A_309, %and3A_315 : vector<16x32xi1>
    %convert_element_type3A_317 = arith.extui %or3A_316 : vector<16x32xi1> to vector<16x32xi32>
    %add3A_318 = arith.addi %add3A_306, %convert_element_type3A_317 : vector<16x32xi32>
    %slice3A_319 = vector.extract_strided_slice %reduce_sum3A_10 {offsets = [0, 26], sizes = [16, 1], strides = [1, 1]} : vector<16x32xf32> to vector<16x1xf32>
    %gt3A_320 = vector.broadcast %slice3A_319 : vector<16x1xf32> to vector<16x32xf32>
    %gt3A_321 = arith.cmpf ogt, %gt3A_320, %reduce_sum3A_10 : vector<16x32xf32>
    %eq3A_322 = vector.broadcast %slice3A_319 : vector<16x1xf32> to vector<16x32xf32>
    %eq3A_323 = arith.cmpf oeq, %eq3A_322, %reduce_sum3A_10 : vector<16x32xf32>
    %gt3A_324 = arith.constant 26 : i32
    %gt3A_325 = vector.broadcast %gt3A_324 : i32 to vector<16x32xi32>
    %gt3A_326 = arith.cmpi sgt, %iota3A, %gt3A_325 : vector<16x32xi32>
    %and3A_327 = arith.andi %eq3A_323, %gt3A_326 : vector<16x32xi1>
    %or3A_328 = arith.ori %gt3A_321, %and3A_327 : vector<16x32xi1>
    %convert_element_type3A_329 = arith.extui %or3A_328 : vector<16x32xi1> to vector<16x32xi32>
    %add3A_330 = arith.addi %add3A_318, %convert_element_type3A_329 : vector<16x32xi32>
    %slice3A_331 = vector.extract_strided_slice %reduce_sum3A_10 {offsets = [0, 27], sizes = [16, 1], strides = [1, 1]} : vector<16x32xf32> to vector<16x1xf32>
    %gt3A_332 = vector.broadcast %slice3A_331 : vector<16x1xf32> to vector<16x32xf32>
    %gt3A_333 = arith.cmpf ogt, %gt3A_332, %reduce_sum3A_10 : vector<16x32xf32>
    %eq3A_334 = vector.broadcast %slice3A_331 : vector<16x1xf32> to vector<16x32xf32>
    %eq3A_335 = arith.cmpf oeq, %eq3A_334, %reduce_sum3A_10 : vector<16x32xf32>
    %gt3A_336 = arith.constant 27 : i32
    %gt3A_337 = vector.broadcast %gt3A_336 : i32 to vector<16x32xi32>
    %gt3A_338 = arith.cmpi sgt, %iota3A, %gt3A_337 : vector<16x32xi32>
    %and3A_339 = arith.andi %eq3A_335, %gt3A_338 : vector<16x32xi1>
    %or3A_340 = arith.ori %gt3A_333, %and3A_339 : vector<16x32xi1>
    %convert_element_type3A_341 = arith.extui %or3A_340 : vector<16x32xi1> to vector<16x32xi32>
    %add3A_342 = arith.addi %add3A_330, %convert_element_type3A_341 : vector<16x32xi32>
    %slice3A_343 = vector.extract_strided_slice %reduce_sum3A_10 {offsets = [0, 28], sizes = [16, 1], strides = [1, 1]} : vector<16x32xf32> to vector<16x1xf32>
    %gt3A_344 = vector.broadcast %slice3A_343 : vector<16x1xf32> to vector<16x32xf32>
    %gt3A_345 = arith.cmpf ogt, %gt3A_344, %reduce_sum3A_10 : vector<16x32xf32>
    %eq3A_346 = vector.broadcast %slice3A_343 : vector<16x1xf32> to vector<16x32xf32>
    %eq3A_347 = arith.cmpf oeq, %eq3A_346, %reduce_sum3A_10 : vector<16x32xf32>
    %gt3A_348 = arith.constant 28 : i32
    %gt3A_349 = vector.broadcast %gt3A_348 : i32 to vector<16x32xi32>
    %gt3A_350 = arith.cmpi sgt, %iota3A, %gt3A_349 : vector<16x32xi32>
    %and3A_351 = arith.andi %eq3A_347, %gt3A_350 : vector<16x32xi1>
    %or3A_352 = arith.ori %gt3A_345, %and3A_351 : vector<16x32xi1>
    %convert_element_type3A_353 = arith.extui %or3A_352 : vector<16x32xi1> to vector<16x32xi32>
    %add3A_354 = arith.addi %add3A_342, %convert_element_type3A_353 : vector<16x32xi32>
    %slice3A_355 = vector.extract_strided_slice %reduce_sum3A_10 {offsets = [0, 29], sizes = [16, 1], strides = [1, 1]} : vector<16x32xf32> to vector<16x1xf32>
    %gt3A_356 = vector.broadcast %slice3A_355 : vector<16x1xf32> to vector<16x32xf32>
    %gt3A_357 = arith.cmpf ogt, %gt3A_356, %reduce_sum3A_10 : vector<16x32xf32>
    %eq3A_358 = vector.broadcast %slice3A_355 : vector<16x1xf32> to vector<16x32xf32>
    %eq3A_359 = arith.cmpf oeq, %eq3A_358, %reduce_sum3A_10 : vector<16x32xf32>
    %gt3A_360 = arith.constant 29 : i32
    %gt3A_361 = vector.broadcast %gt3A_360 : i32 to vector<16x32xi32>
    %gt3A_362 = arith.cmpi sgt, %iota3A, %gt3A_361 : vector<16x32xi32>
    %and3A_363 = arith.andi %eq3A_359, %gt3A_362 : vector<16x32xi1>
    %or3A_364 = arith.ori %gt3A_357, %and3A_363 : vector<16x32xi1>
    %convert_element_type3A_365 = arith.extui %or3A_364 : vector<16x32xi1> to vector<16x32xi32>
    %add3A_366 = arith.addi %add3A_354, %convert_element_type3A_365 : vector<16x32xi32>
    %slice3A_367 = vector.extract_strided_slice %reduce_sum3A_10 {offsets = [0, 30], sizes = [16, 1], strides = [1, 1]} : vector<16x32xf32> to vector<16x1xf32>
    %gt3A_368 = vector.broadcast %slice3A_367 : vector<16x1xf32> to vector<16x32xf32>
    %gt3A_369 = arith.cmpf ogt, %gt3A_368, %reduce_sum3A_10 : vector<16x32xf32>
    %eq3A_370 = vector.broadcast %slice3A_367 : vector<16x1xf32> to vector<16x32xf32>
    %eq3A_371 = arith.cmpf oeq, %eq3A_370, %reduce_sum3A_10 : vector<16x32xf32>
    %gt3A_372 = arith.constant 30 : i32
    %gt3A_373 = vector.broadcast %gt3A_372 : i32 to vector<16x32xi32>
    %gt3A_374 = arith.cmpi sgt, %iota3A, %gt3A_373 : vector<16x32xi32>
    %and3A_375 = arith.andi %eq3A_371, %gt3A_374 : vector<16x32xi1>
    %or3A_376 = arith.ori %gt3A_369, %and3A_375 : vector<16x32xi1>
    %convert_element_type3A_377 = arith.extui %or3A_376 : vector<16x32xi1> to vector<16x32xi32>
    %add3A_378 = arith.addi %add3A_366, %convert_element_type3A_377 : vector<16x32xi32>
    %slice3A_379 = vector.extract_strided_slice %reduce_sum3A_10 {offsets = [0, 31], sizes = [16, 1], strides = [1, 1]} : vector<16x32xf32> to vector<16x1xf32>
    %gt3A_380 = vector.broadcast %slice3A_379 : vector<16x1xf32> to vector<16x32xf32>
    %gt3A_381 = arith.cmpf ogt, %gt3A_380, %reduce_sum3A_10 : vector<16x32xf32>
    %eq3A_382 = vector.broadcast %slice3A_379 : vector<16x1xf32> to vector<16x32xf32>
    %eq3A_383 = arith.cmpf oeq, %eq3A_382, %reduce_sum3A_10 : vector<16x32xf32>
    %gt3A_384 = arith.constant 31 : i32
    %gt3A_385 = vector.broadcast %gt3A_384 : i32 to vector<16x32xi32>
    %gt3A_386 = arith.cmpi sgt, %iota3A, %gt3A_385 : vector<16x32xi32>
    %and3A_387 = arith.andi %eq3A_383, %gt3A_386 : vector<16x32xi1>
    %or3A_388 = arith.ori %gt3A_381, %and3A_387 : vector<16x32xi1>
    %convert_element_type3A_389 = arith.extui %or3A_388 : vector<16x32xi1> to vector<16x32xi32>
    %add3A_390 = arith.addi %add3A_378, %convert_element_type3A_389 : vector<16x32xi32>
    %broadcast_in_dim3A_391 = arith.constant 0 : i32
    %broadcast_in_dim3A_392 = vector.broadcast %broadcast_in_dim3A_391 : i32 to vector<16x32xi32>
    %slice3A_393 = vector.extract_strided_slice %add3A_390 {offsets = [0, 0], sizes = [16, 1], strides = [1, 1]} : vector<16x32xi32> to vector<16x1xi32>
    %eq3A_394 = vector.broadcast %slice3A_393 : vector<16x1xi32> to vector<16x32xi32>
    %eq3A_395 = arith.cmpi eq, %eq3A_394, %iota3A : vector<16x32xi32>
    %jit3A = arith.constant 0 : i32
    %jit3A_396 = arith.constant 0 : i32
    %broadcast_in_dim3A_397 = vector.broadcast %jit3A : i32 to vector<16x32xi32>
    %broadcast_in_dim3A_398 = vector.broadcast %jit3A_396 : i32 to vector<16x32xi32>
    %select_n3A = arith.select %eq3A_395, %broadcast_in_dim3A_397, %broadcast_in_dim3A_398 : vector<16x32xi1>, vector<16x32xi32>
    %add3A_399 = arith.addi %broadcast_in_dim3A_392, %select_n3A : vector<16x32xi32>
    %slice3A_400 = vector.extract_strided_slice %add3A_390 {offsets = [0, 1], sizes = [16, 1], strides = [1, 1]} : vector<16x32xi32> to vector<16x1xi32>
    %eq3A_401 = vector.broadcast %slice3A_400 : vector<16x1xi32> to vector<16x32xi32>
    %eq3A_402 = arith.cmpi eq, %eq3A_401, %iota3A : vector<16x32xi32>
    %jit3A_403 = arith.constant 1 : i32
    %jit3A_404 = arith.constant 0 : i32
    %broadcast_in_dim3A_405 = vector.broadcast %jit3A_403 : i32 to vector<16x32xi32>
    %broadcast_in_dim3A_406 = vector.broadcast %jit3A_404 : i32 to vector<16x32xi32>
    %select_n3A_407 = arith.select %eq3A_402, %broadcast_in_dim3A_405, %broadcast_in_dim3A_406 : vector<16x32xi1>, vector<16x32xi32>
    %add3A_408 = arith.addi %add3A_399, %select_n3A_407 : vector<16x32xi32>
    %slice3A_409 = vector.extract_strided_slice %add3A_390 {offsets = [0, 2], sizes = [16, 1], strides = [1, 1]} : vector<16x32xi32> to vector<16x1xi32>
    %eq3A_410 = vector.broadcast %slice3A_409 : vector<16x1xi32> to vector<16x32xi32>
    %eq3A_411 = arith.cmpi eq, %eq3A_410, %iota3A : vector<16x32xi32>
    %jit3A_412 = arith.constant 2 : i32
    %jit3A_413 = arith.constant 0 : i32
    %broadcast_in_dim3A_414 = vector.broadcast %jit3A_412 : i32 to vector<16x32xi32>
    %broadcast_in_dim3A_415 = vector.broadcast %jit3A_413 : i32 to vector<16x32xi32>
    %select_n3A_416 = arith.select %eq3A_411, %broadcast_in_dim3A_414, %broadcast_in_dim3A_415 : vector<16x32xi1>, vector<16x32xi32>
    %add3A_417 = arith.addi %add3A_408, %select_n3A_416 : vector<16x32xi32>
    %slice3A_418 = vector.extract_strided_slice %add3A_390 {offsets = [0, 3], sizes = [16, 1], strides = [1, 1]} : vector<16x32xi32> to vector<16x1xi32>
    %eq3A_419 = vector.broadcast %slice3A_418 : vector<16x1xi32> to vector<16x32xi32>
    %eq3A_420 = arith.cmpi eq, %eq3A_419, %iota3A : vector<16x32xi32>
    %jit3A_421 = arith.constant 3 : i32
    %jit3A_422 = arith.constant 0 : i32
    %broadcast_in_dim3A_423 = vector.broadcast %jit3A_421 : i32 to vector<16x32xi32>
    %broadcast_in_dim3A_424 = vector.broadcast %jit3A_422 : i32 to vector<16x32xi32>
    %select_n3A_425 = arith.select %eq3A_420, %broadcast_in_dim3A_423, %broadcast_in_dim3A_424 : vector<16x32xi1>, vector<16x32xi32>
    %add3A_426 = arith.addi %add3A_417, %select_n3A_425 : vector<16x32xi32>
    %slice3A_427 = vector.extract_strided_slice %add3A_390 {offsets = [0, 4], sizes = [16, 1], strides = [1, 1]} : vector<16x32xi32> to vector<16x1xi32>
    %eq3A_428 = vector.broadcast %slice3A_427 : vector<16x1xi32> to vector<16x32xi32>
    %eq3A_429 = arith.cmpi eq, %eq3A_428, %iota3A : vector<16x32xi32>
    %jit3A_430 = arith.constant 4 : i32
    %jit3A_431 = arith.constant 0 : i32
    %broadcast_in_dim3A_432 = vector.broadcast %jit3A_430 : i32 to vector<16x32xi32>
    %broadcast_in_dim3A_433 = vector.broadcast %jit3A_431 : i32 to vector<16x32xi32>
    %select_n3A_434 = arith.select %eq3A_429, %broadcast_in_dim3A_432, %broadcast_in_dim3A_433 : vector<16x32xi1>, vector<16x32xi32>
    %add3A_435 = arith.addi %add3A_426, %select_n3A_434 : vector<16x32xi32>
    %slice3A_436 = vector.extract_strided_slice %add3A_390 {offsets = [0, 5], sizes = [16, 1], strides = [1, 1]} : vector<16x32xi32> to vector<16x1xi32>
    %eq3A_437 = vector.broadcast %slice3A_436 : vector<16x1xi32> to vector<16x32xi32>
    %eq3A_438 = arith.cmpi eq, %eq3A_437, %iota3A : vector<16x32xi32>
    %jit3A_439 = arith.constant 5 : i32
    %jit3A_440 = arith.constant 0 : i32
    %broadcast_in_dim3A_441 = vector.broadcast %jit3A_439 : i32 to vector<16x32xi32>
    %broadcast_in_dim3A_442 = vector.broadcast %jit3A_440 : i32 to vector<16x32xi32>
    %select_n3A_443 = arith.select %eq3A_438, %broadcast_in_dim3A_441, %broadcast_in_dim3A_442 : vector<16x32xi1>, vector<16x32xi32>
    %add3A_444 = arith.addi %add3A_435, %select_n3A_443 : vector<16x32xi32>
    %slice3A_445 = vector.extract_strided_slice %add3A_390 {offsets = [0, 6], sizes = [16, 1], strides = [1, 1]} : vector<16x32xi32> to vector<16x1xi32>
    %eq3A_446 = vector.broadcast %slice3A_445 : vector<16x1xi32> to vector<16x32xi32>
    %eq3A_447 = arith.cmpi eq, %eq3A_446, %iota3A : vector<16x32xi32>
    %jit3A_448 = arith.constant 6 : i32
    %jit3A_449 = arith.constant 0 : i32
    %broadcast_in_dim3A_450 = vector.broadcast %jit3A_448 : i32 to vector<16x32xi32>
    %broadcast_in_dim3A_451 = vector.broadcast %jit3A_449 : i32 to vector<16x32xi32>
    %select_n3A_452 = arith.select %eq3A_447, %broadcast_in_dim3A_450, %broadcast_in_dim3A_451 : vector<16x32xi1>, vector<16x32xi32>
    %add3A_453 = arith.addi %add3A_444, %select_n3A_452 : vector<16x32xi32>
    %slice3A_454 = vector.extract_strided_slice %add3A_390 {offsets = [0, 7], sizes = [16, 1], strides = [1, 1]} : vector<16x32xi32> to vector<16x1xi32>
    %eq3A_455 = vector.broadcast %slice3A_454 : vector<16x1xi32> to vector<16x32xi32>
    %eq3A_456 = arith.cmpi eq, %eq3A_455, %iota3A : vector<16x32xi32>
    %jit3A_457 = arith.constant 7 : i32
    %jit3A_458 = arith.constant 0 : i32
    %broadcast_in_dim3A_459 = vector.broadcast %jit3A_457 : i32 to vector<16x32xi32>
    %broadcast_in_dim3A_460 = vector.broadcast %jit3A_458 : i32 to vector<16x32xi32>
    %select_n3A_461 = arith.select %eq3A_456, %broadcast_in_dim3A_459, %broadcast_in_dim3A_460 : vector<16x32xi1>, vector<16x32xi32>
    %add3A_462 = arith.addi %add3A_453, %select_n3A_461 : vector<16x32xi32>
    %slice3A_463 = vector.extract_strided_slice %add3A_390 {offsets = [0, 8], sizes = [16, 1], strides = [1, 1]} : vector<16x32xi32> to vector<16x1xi32>
    %eq3A_464 = vector.broadcast %slice3A_463 : vector<16x1xi32> to vector<16x32xi32>
    %eq3A_465 = arith.cmpi eq, %eq3A_464, %iota3A : vector<16x32xi32>
    %jit3A_466 = arith.constant 8 : i32
    %jit3A_467 = arith.constant 0 : i32
    %broadcast_in_dim3A_468 = vector.broadcast %jit3A_466 : i32 to vector<16x32xi32>
    %broadcast_in_dim3A_469 = vector.broadcast %jit3A_467 : i32 to vector<16x32xi32>
    %select_n3A_470 = arith.select %eq3A_465, %broadcast_in_dim3A_468, %broadcast_in_dim3A_469 : vector<16x32xi1>, vector<16x32xi32>
    %add3A_471 = arith.addi %add3A_462, %select_n3A_470 : vector<16x32xi32>
    %slice3A_472 = vector.extract_strided_slice %add3A_390 {offsets = [0, 9], sizes = [16, 1], strides = [1, 1]} : vector<16x32xi32> to vector<16x1xi32>
    %eq3A_473 = vector.broadcast %slice3A_472 : vector<16x1xi32> to vector<16x32xi32>
    %eq3A_474 = arith.cmpi eq, %eq3A_473, %iota3A : vector<16x32xi32>
    %jit3A_475 = arith.constant 9 : i32
    %jit3A_476 = arith.constant 0 : i32
    %broadcast_in_dim3A_477 = vector.broadcast %jit3A_475 : i32 to vector<16x32xi32>
    %broadcast_in_dim3A_478 = vector.broadcast %jit3A_476 : i32 to vector<16x32xi32>
    %select_n3A_479 = arith.select %eq3A_474, %broadcast_in_dim3A_477, %broadcast_in_dim3A_478 : vector<16x32xi1>, vector<16x32xi32>
    %add3A_480 = arith.addi %add3A_471, %select_n3A_479 : vector<16x32xi32>
    %slice3A_481 = vector.extract_strided_slice %add3A_390 {offsets = [0, 10], sizes = [16, 1], strides = [1, 1]} : vector<16x32xi32> to vector<16x1xi32>
    %eq3A_482 = vector.broadcast %slice3A_481 : vector<16x1xi32> to vector<16x32xi32>
    %eq3A_483 = arith.cmpi eq, %eq3A_482, %iota3A : vector<16x32xi32>
    %jit3A_484 = arith.constant 10 : i32
    %jit3A_485 = arith.constant 0 : i32
    %broadcast_in_dim3A_486 = vector.broadcast %jit3A_484 : i32 to vector<16x32xi32>
    %broadcast_in_dim3A_487 = vector.broadcast %jit3A_485 : i32 to vector<16x32xi32>
    %select_n3A_488 = arith.select %eq3A_483, %broadcast_in_dim3A_486, %broadcast_in_dim3A_487 : vector<16x32xi1>, vector<16x32xi32>
    %add3A_489 = arith.addi %add3A_480, %select_n3A_488 : vector<16x32xi32>
    %slice3A_490 = vector.extract_strided_slice %add3A_390 {offsets = [0, 11], sizes = [16, 1], strides = [1, 1]} : vector<16x32xi32> to vector<16x1xi32>
    %eq3A_491 = vector.broadcast %slice3A_490 : vector<16x1xi32> to vector<16x32xi32>
    %eq3A_492 = arith.cmpi eq, %eq3A_491, %iota3A : vector<16x32xi32>
    %jit3A_493 = arith.constant 11 : i32
    %jit3A_494 = arith.constant 0 : i32
    %broadcast_in_dim3A_495 = vector.broadcast %jit3A_493 : i32 to vector<16x32xi32>
    %broadcast_in_dim3A_496 = vector.broadcast %jit3A_494 : i32 to vector<16x32xi32>
    %select_n3A_497 = arith.select %eq3A_492, %broadcast_in_dim3A_495, %broadcast_in_dim3A_496 : vector<16x32xi1>, vector<16x32xi32>
    %add3A_498 = arith.addi %add3A_489, %select_n3A_497 : vector<16x32xi32>
    %slice3A_499 = vector.extract_strided_slice %add3A_390 {offsets = [0, 12], sizes = [16, 1], strides = [1, 1]} : vector<16x32xi32> to vector<16x1xi32>
    %eq3A_500 = vector.broadcast %slice3A_499 : vector<16x1xi32> to vector<16x32xi32>
    %eq3A_501 = arith.cmpi eq, %eq3A_500, %iota3A : vector<16x32xi32>
    %jit3A_502 = arith.constant 12 : i32
    %jit3A_503 = arith.constant 0 : i32
    %broadcast_in_dim3A_504 = vector.broadcast %jit3A_502 : i32 to vector<16x32xi32>
    %broadcast_in_dim3A_505 = vector.broadcast %jit3A_503 : i32 to vector<16x32xi32>
    %select_n3A_506 = arith.select %eq3A_501, %broadcast_in_dim3A_504, %broadcast_in_dim3A_505 : vector<16x32xi1>, vector<16x32xi32>
    %add3A_507 = arith.addi %add3A_498, %select_n3A_506 : vector<16x32xi32>
    %slice3A_508 = vector.extract_strided_slice %add3A_390 {offsets = [0, 13], sizes = [16, 1], strides = [1, 1]} : vector<16x32xi32> to vector<16x1xi32>
    %eq3A_509 = vector.broadcast %slice3A_508 : vector<16x1xi32> to vector<16x32xi32>
    %eq3A_510 = arith.cmpi eq, %eq3A_509, %iota3A : vector<16x32xi32>
    %jit3A_511 = arith.constant 13 : i32
    %jit3A_512 = arith.constant 0 : i32
    %broadcast_in_dim3A_513 = vector.broadcast %jit3A_511 : i32 to vector<16x32xi32>
    %broadcast_in_dim3A_514 = vector.broadcast %jit3A_512 : i32 to vector<16x32xi32>
    %select_n3A_515 = arith.select %eq3A_510, %broadcast_in_dim3A_513, %broadcast_in_dim3A_514 : vector<16x32xi1>, vector<16x32xi32>
    %add3A_516 = arith.addi %add3A_507, %select_n3A_515 : vector<16x32xi32>
    %slice3A_517 = vector.extract_strided_slice %add3A_390 {offsets = [0, 14], sizes = [16, 1], strides = [1, 1]} : vector<16x32xi32> to vector<16x1xi32>
    %eq3A_518 = vector.broadcast %slice3A_517 : vector<16x1xi32> to vector<16x32xi32>
    %eq3A_519 = arith.cmpi eq, %eq3A_518, %iota3A : vector<16x32xi32>
    %jit3A_520 = arith.constant 14 : i32
    %jit3A_521 = arith.constant 0 : i32
    %broadcast_in_dim3A_522 = vector.broadcast %jit3A_520 : i32 to vector<16x32xi32>
    %broadcast_in_dim3A_523 = vector.broadcast %jit3A_521 : i32 to vector<16x32xi32>
    %select_n3A_524 = arith.select %eq3A_519, %broadcast_in_dim3A_522, %broadcast_in_dim3A_523 : vector<16x32xi1>, vector<16x32xi32>
    %add3A_525 = arith.addi %add3A_516, %select_n3A_524 : vector<16x32xi32>
    %slice3A_526 = vector.extract_strided_slice %add3A_390 {offsets = [0, 15], sizes = [16, 1], strides = [1, 1]} : vector<16x32xi32> to vector<16x1xi32>
    %eq3A_527 = vector.broadcast %slice3A_526 : vector<16x1xi32> to vector<16x32xi32>
    %eq3A_528 = arith.cmpi eq, %eq3A_527, %iota3A : vector<16x32xi32>
    %jit3A_529 = arith.constant 15 : i32
    %jit3A_530 = arith.constant 0 : i32
    %broadcast_in_dim3A_531 = vector.broadcast %jit3A_529 : i32 to vector<16x32xi32>
    %broadcast_in_dim3A_532 = vector.broadcast %jit3A_530 : i32 to vector<16x32xi32>
    %select_n3A_533 = arith.select %eq3A_528, %broadcast_in_dim3A_531, %broadcast_in_dim3A_532 : vector<16x32xi1>, vector<16x32xi32>
    %add3A_534 = arith.addi %add3A_525, %select_n3A_533 : vector<16x32xi32>
    %slice3A_535 = vector.extract_strided_slice %add3A_390 {offsets = [0, 16], sizes = [16, 1], strides = [1, 1]} : vector<16x32xi32> to vector<16x1xi32>
    %eq3A_536 = vector.broadcast %slice3A_535 : vector<16x1xi32> to vector<16x32xi32>
    %eq3A_537 = arith.cmpi eq, %eq3A_536, %iota3A : vector<16x32xi32>
    %jit3A_538 = arith.constant 16 : i32
    %jit3A_539 = arith.constant 0 : i32
    %broadcast_in_dim3A_540 = vector.broadcast %jit3A_538 : i32 to vector<16x32xi32>
    %broadcast_in_dim3A_541 = vector.broadcast %jit3A_539 : i32 to vector<16x32xi32>
    %select_n3A_542 = arith.select %eq3A_537, %broadcast_in_dim3A_540, %broadcast_in_dim3A_541 : vector<16x32xi1>, vector<16x32xi32>
    %add3A_543 = arith.addi %add3A_534, %select_n3A_542 : vector<16x32xi32>
    %slice3A_544 = vector.extract_strided_slice %add3A_390 {offsets = [0, 17], sizes = [16, 1], strides = [1, 1]} : vector<16x32xi32> to vector<16x1xi32>
    %eq3A_545 = vector.broadcast %slice3A_544 : vector<16x1xi32> to vector<16x32xi32>
    %eq3A_546 = arith.cmpi eq, %eq3A_545, %iota3A : vector<16x32xi32>
    %jit3A_547 = arith.constant 17 : i32
    %jit3A_548 = arith.constant 0 : i32
    %broadcast_in_dim3A_549 = vector.broadcast %jit3A_547 : i32 to vector<16x32xi32>
    %broadcast_in_dim3A_550 = vector.broadcast %jit3A_548 : i32 to vector<16x32xi32>
    %select_n3A_551 = arith.select %eq3A_546, %broadcast_in_dim3A_549, %broadcast_in_dim3A_550 : vector<16x32xi1>, vector<16x32xi32>
    %add3A_552 = arith.addi %add3A_543, %select_n3A_551 : vector<16x32xi32>
    %slice3A_553 = vector.extract_strided_slice %add3A_390 {offsets = [0, 18], sizes = [16, 1], strides = [1, 1]} : vector<16x32xi32> to vector<16x1xi32>
    %eq3A_554 = vector.broadcast %slice3A_553 : vector<16x1xi32> to vector<16x32xi32>
    %eq3A_555 = arith.cmpi eq, %eq3A_554, %iota3A : vector<16x32xi32>
    %jit3A_556 = arith.constant 18 : i32
    %jit3A_557 = arith.constant 0 : i32
    %broadcast_in_dim3A_558 = vector.broadcast %jit3A_556 : i32 to vector<16x32xi32>
    %broadcast_in_dim3A_559 = vector.broadcast %jit3A_557 : i32 to vector<16x32xi32>
    %select_n3A_560 = arith.select %eq3A_555, %broadcast_in_dim3A_558, %broadcast_in_dim3A_559 : vector<16x32xi1>, vector<16x32xi32>
    %add3A_561 = arith.addi %add3A_552, %select_n3A_560 : vector<16x32xi32>
    %slice3A_562 = vector.extract_strided_slice %add3A_390 {offsets = [0, 19], sizes = [16, 1], strides = [1, 1]} : vector<16x32xi32> to vector<16x1xi32>
    %eq3A_563 = vector.broadcast %slice3A_562 : vector<16x1xi32> to vector<16x32xi32>
    %eq3A_564 = arith.cmpi eq, %eq3A_563, %iota3A : vector<16x32xi32>
    %jit3A_565 = arith.constant 19 : i32
    %jit3A_566 = arith.constant 0 : i32
    %broadcast_in_dim3A_567 = vector.broadcast %jit3A_565 : i32 to vector<16x32xi32>
    %broadcast_in_dim3A_568 = vector.broadcast %jit3A_566 : i32 to vector<16x32xi32>
    %select_n3A_569 = arith.select %eq3A_564, %broadcast_in_dim3A_567, %broadcast_in_dim3A_568 : vector<16x32xi1>, vector<16x32xi32>
    %add3A_570 = arith.addi %add3A_561, %select_n3A_569 : vector<16x32xi32>
    %slice3A_571 = vector.extract_strided_slice %add3A_390 {offsets = [0, 20], sizes = [16, 1], strides = [1, 1]} : vector<16x32xi32> to vector<16x1xi32>
    %eq3A_572 = vector.broadcast %slice3A_571 : vector<16x1xi32> to vector<16x32xi32>
    %eq3A_573 = arith.cmpi eq, %eq3A_572, %iota3A : vector<16x32xi32>
    %jit3A_574 = arith.constant 20 : i32
    %jit3A_575 = arith.constant 0 : i32
    %broadcast_in_dim3A_576 = vector.broadcast %jit3A_574 : i32 to vector<16x32xi32>
    %broadcast_in_dim3A_577 = vector.broadcast %jit3A_575 : i32 to vector<16x32xi32>
    %select_n3A_578 = arith.select %eq3A_573, %broadcast_in_dim3A_576, %broadcast_in_dim3A_577 : vector<16x32xi1>, vector<16x32xi32>
    %add3A_579 = arith.addi %add3A_570, %select_n3A_578 : vector<16x32xi32>
    %slice3A_580 = vector.extract_strided_slice %add3A_390 {offsets = [0, 21], sizes = [16, 1], strides = [1, 1]} : vector<16x32xi32> to vector<16x1xi32>
    %eq3A_581 = vector.broadcast %slice3A_580 : vector<16x1xi32> to vector<16x32xi32>
    %eq3A_582 = arith.cmpi eq, %eq3A_581, %iota3A : vector<16x32xi32>
    %jit3A_583 = arith.constant 21 : i32
    %jit3A_584 = arith.constant 0 : i32
    %broadcast_in_dim3A_585 = vector.broadcast %jit3A_583 : i32 to vector<16x32xi32>
    %broadcast_in_dim3A_586 = vector.broadcast %jit3A_584 : i32 to vector<16x32xi32>
    %select_n3A_587 = arith.select %eq3A_582, %broadcast_in_dim3A_585, %broadcast_in_dim3A_586 : vector<16x32xi1>, vector<16x32xi32>
    %add3A_588 = arith.addi %add3A_579, %select_n3A_587 : vector<16x32xi32>
    %slice3A_589 = vector.extract_strided_slice %add3A_390 {offsets = [0, 22], sizes = [16, 1], strides = [1, 1]} : vector<16x32xi32> to vector<16x1xi32>
    %eq3A_590 = vector.broadcast %slice3A_589 : vector<16x1xi32> to vector<16x32xi32>
    %eq3A_591 = arith.cmpi eq, %eq3A_590, %iota3A : vector<16x32xi32>
    %jit3A_592 = arith.constant 22 : i32
    %jit3A_593 = arith.constant 0 : i32
    %broadcast_in_dim3A_594 = vector.broadcast %jit3A_592 : i32 to vector<16x32xi32>
    %broadcast_in_dim3A_595 = vector.broadcast %jit3A_593 : i32 to vector<16x32xi32>
    %select_n3A_596 = arith.select %eq3A_591, %broadcast_in_dim3A_594, %broadcast_in_dim3A_595 : vector<16x32xi1>, vector<16x32xi32>
    %add3A_597 = arith.addi %add3A_588, %select_n3A_596 : vector<16x32xi32>
    %slice3A_598 = vector.extract_strided_slice %add3A_390 {offsets = [0, 23], sizes = [16, 1], strides = [1, 1]} : vector<16x32xi32> to vector<16x1xi32>
    %eq3A_599 = vector.broadcast %slice3A_598 : vector<16x1xi32> to vector<16x32xi32>
    %eq3A_600 = arith.cmpi eq, %eq3A_599, %iota3A : vector<16x32xi32>
    %jit3A_601 = arith.constant 23 : i32
    %jit3A_602 = arith.constant 0 : i32
    %broadcast_in_dim3A_603 = vector.broadcast %jit3A_601 : i32 to vector<16x32xi32>
    %broadcast_in_dim3A_604 = vector.broadcast %jit3A_602 : i32 to vector<16x32xi32>
    %select_n3A_605 = arith.select %eq3A_600, %broadcast_in_dim3A_603, %broadcast_in_dim3A_604 : vector<16x32xi1>, vector<16x32xi32>
    %add3A_606 = arith.addi %add3A_597, %select_n3A_605 : vector<16x32xi32>
    %slice3A_607 = vector.extract_strided_slice %add3A_390 {offsets = [0, 24], sizes = [16, 1], strides = [1, 1]} : vector<16x32xi32> to vector<16x1xi32>
    %eq3A_608 = vector.broadcast %slice3A_607 : vector<16x1xi32> to vector<16x32xi32>
    %eq3A_609 = arith.cmpi eq, %eq3A_608, %iota3A : vector<16x32xi32>
    %jit3A_610 = arith.constant 24 : i32
    %jit3A_611 = arith.constant 0 : i32
    %broadcast_in_dim3A_612 = vector.broadcast %jit3A_610 : i32 to vector<16x32xi32>
    %broadcast_in_dim3A_613 = vector.broadcast %jit3A_611 : i32 to vector<16x32xi32>
    %select_n3A_614 = arith.select %eq3A_609, %broadcast_in_dim3A_612, %broadcast_in_dim3A_613 : vector<16x32xi1>, vector<16x32xi32>
    %add3A_615 = arith.addi %add3A_606, %select_n3A_614 : vector<16x32xi32>
    %slice3A_616 = vector.extract_strided_slice %add3A_390 {offsets = [0, 25], sizes = [16, 1], strides = [1, 1]} : vector<16x32xi32> to vector<16x1xi32>
    %eq3A_617 = vector.broadcast %slice3A_616 : vector<16x1xi32> to vector<16x32xi32>
    %eq3A_618 = arith.cmpi eq, %eq3A_617, %iota3A : vector<16x32xi32>
    %jit3A_619 = arith.constant 25 : i32
    %jit3A_620 = arith.constant 0 : i32
    %broadcast_in_dim3A_621 = vector.broadcast %jit3A_619 : i32 to vector<16x32xi32>
    %broadcast_in_dim3A_622 = vector.broadcast %jit3A_620 : i32 to vector<16x32xi32>
    %select_n3A_623 = arith.select %eq3A_618, %broadcast_in_dim3A_621, %broadcast_in_dim3A_622 : vector<16x32xi1>, vector<16x32xi32>
    %add3A_624 = arith.addi %add3A_615, %select_n3A_623 : vector<16x32xi32>
    %slice3A_625 = vector.extract_strided_slice %add3A_390 {offsets = [0, 26], sizes = [16, 1], strides = [1, 1]} : vector<16x32xi32> to vector<16x1xi32>
    %eq3A_626 = vector.broadcast %slice3A_625 : vector<16x1xi32> to vector<16x32xi32>
    %eq3A_627 = arith.cmpi eq, %eq3A_626, %iota3A : vector<16x32xi32>
    %jit3A_628 = arith.constant 26 : i32
    %jit3A_629 = arith.constant 0 : i32
    %broadcast_in_dim3A_630 = vector.broadcast %jit3A_628 : i32 to vector<16x32xi32>
    %broadcast_in_dim3A_631 = vector.broadcast %jit3A_629 : i32 to vector<16x32xi32>
    %select_n3A_632 = arith.select %eq3A_627, %broadcast_in_dim3A_630, %broadcast_in_dim3A_631 : vector<16x32xi1>, vector<16x32xi32>
    %add3A_633 = arith.addi %add3A_624, %select_n3A_632 : vector<16x32xi32>
    %slice3A_634 = vector.extract_strided_slice %add3A_390 {offsets = [0, 27], sizes = [16, 1], strides = [1, 1]} : vector<16x32xi32> to vector<16x1xi32>
    %eq3A_635 = vector.broadcast %slice3A_634 : vector<16x1xi32> to vector<16x32xi32>
    %eq3A_636 = arith.cmpi eq, %eq3A_635, %iota3A : vector<16x32xi32>
    %jit3A_637 = arith.constant 27 : i32
    %jit3A_638 = arith.constant 0 : i32
    %broadcast_in_dim3A_639 = vector.broadcast %jit3A_637 : i32 to vector<16x32xi32>
    %broadcast_in_dim3A_640 = vector.broadcast %jit3A_638 : i32 to vector<16x32xi32>
    %select_n3A_641 = arith.select %eq3A_636, %broadcast_in_dim3A_639, %broadcast_in_dim3A_640 : vector<16x32xi1>, vector<16x32xi32>
    %add3A_642 = arith.addi %add3A_633, %select_n3A_641 : vector<16x32xi32>
    %slice3A_643 = vector.extract_strided_slice %add3A_390 {offsets = [0, 28], sizes = [16, 1], strides = [1, 1]} : vector<16x32xi32> to vector<16x1xi32>
    %eq3A_644 = vector.broadcast %slice3A_643 : vector<16x1xi32> to vector<16x32xi32>
    %eq3A_645 = arith.cmpi eq, %eq3A_644, %iota3A : vector<16x32xi32>
    %jit3A_646 = arith.constant 28 : i32
    %jit3A_647 = arith.constant 0 : i32
    %broadcast_in_dim3A_648 = vector.broadcast %jit3A_646 : i32 to vector<16x32xi32>
    %broadcast_in_dim3A_649 = vector.broadcast %jit3A_647 : i32 to vector<16x32xi32>
    %select_n3A_650 = arith.select %eq3A_645, %broadcast_in_dim3A_648, %broadcast_in_dim3A_649 : vector<16x32xi1>, vector<16x32xi32>
    %add3A_651 = arith.addi %add3A_642, %select_n3A_650 : vector<16x32xi32>
    %slice3A_652 = vector.extract_strided_slice %add3A_390 {offsets = [0, 29], sizes = [16, 1], strides = [1, 1]} : vector<16x32xi32> to vector<16x1xi32>
    %eq3A_653 = vector.broadcast %slice3A_652 : vector<16x1xi32> to vector<16x32xi32>
    %eq3A_654 = arith.cmpi eq, %eq3A_653, %iota3A : vector<16x32xi32>
    %jit3A_655 = arith.constant 29 : i32
    %jit3A_656 = arith.constant 0 : i32
    %broadcast_in_dim3A_657 = vector.broadcast %jit3A_655 : i32 to vector<16x32xi32>
    %broadcast_in_dim3A_658 = vector.broadcast %jit3A_656 : i32 to vector<16x32xi32>
    %select_n3A_659 = arith.select %eq3A_654, %broadcast_in_dim3A_657, %broadcast_in_dim3A_658 : vector<16x32xi1>, vector<16x32xi32>
    %add3A_660 = arith.addi %add3A_651, %select_n3A_659 : vector<16x32xi32>
    %slice3A_661 = vector.extract_strided_slice %add3A_390 {offsets = [0, 30], sizes = [16, 1], strides = [1, 1]} : vector<16x32xi32> to vector<16x1xi32>
    %eq3A_662 = vector.broadcast %slice3A_661 : vector<16x1xi32> to vector<16x32xi32>
    %eq3A_663 = arith.cmpi eq, %eq3A_662, %iota3A : vector<16x32xi32>
    %jit3A_664 = arith.constant 30 : i32
    %jit3A_665 = arith.constant 0 : i32
    %broadcast_in_dim3A_666 = vector.broadcast %jit3A_664 : i32 to vector<16x32xi32>
    %broadcast_in_dim3A_667 = vector.broadcast %jit3A_665 : i32 to vector<16x32xi32>
    %select_n3A_668 = arith.select %eq3A_663, %broadcast_in_dim3A_666, %broadcast_in_dim3A_667 : vector<16x32xi1>, vector<16x32xi32>
    %add3A_669 = arith.addi %add3A_660, %select_n3A_668 : vector<16x32xi32>
    %slice3A_670 = vector.extract_strided_slice %add3A_390 {offsets = [0, 31], sizes = [16, 1], strides = [1, 1]} : vector<16x32xi32> to vector<16x1xi32>
    %eq3A_671 = vector.broadcast %slice3A_670 : vector<16x1xi32> to vector<16x32xi32>
    %eq3A_672 = arith.cmpi eq, %eq3A_671, %iota3A : vector<16x32xi32>
    %jit3A_673 = arith.constant 31 : i32
    %jit3A_674 = arith.constant 0 : i32
    %broadcast_in_dim3A_675 = vector.broadcast %jit3A_673 : i32 to vector<16x32xi32>
    %broadcast_in_dim3A_676 = vector.broadcast %jit3A_674 : i32 to vector<16x32xi32>
    %select_n3A_677 = arith.select %eq3A_672, %broadcast_in_dim3A_675, %broadcast_in_dim3A_676 : vector<16x32xi1>, vector<16x32xi32>
    %add3A_678 = arith.addi %add3A_669, %select_n3A_677 : vector<16x32xi32>
    %slice3A_679 = vector.extract_strided_slice %add3A_678 {offsets = [0, 4], sizes = [16, 28], strides = [1, 1]} : vector<16x32xi32> to vector<16x28xi32>
    %transpose3A = tpu.transpose %slice3A_679, [1, 0] : vector<16x28xi32> -> vector<28x16xi32>
    %iota3A_680 = tpu.iota {dimensions = array<i32: 1>} : vector<28x28x28x16xi32>
    %iota3A_681 = tpu.iota {dimensions = array<i32: 2>} : vector<28x28x28x16xi32>
    %iota3A_682 = tpu.iota {dimensions = array<i32: 3>} : vector<28x28x28x16xi32>
    %mul3A_683 = arith.constant 28 : i32
    %mul3A_684 = vector.broadcast %mul3A_683 : i32 to vector<28x28x28x16xi32>
    %mul3A_685 = arith.muli %iota3A_682, %mul3A_684 : vector<28x28x28x16xi32>
    %add3A_686 = arith.addi %mul3A_685, %iota3A_680 : vector<28x28x28x16xi32>
    %mul3A_687 = arith.constant 28 : i32
    %mul3A_688 = vector.broadcast %mul3A_687 : i32 to vector<28x28x28x16xi32>
    %mul3A_689 = arith.muli %add3A_686, %mul3A_688 : vector<28x28x28x16xi32>
    %add3A_690 = arith.addi %mul3A_689, %iota3A_681 : vector<28x28x28x16xi32>
    %mul3A_691 = arith.constant 32 : i32
    %mul3A_692 = vector.broadcast %mul3A_691 : i32 to vector<28x28x28x16xi32>
    %mul3A_693 = arith.muli %add3A_690, %mul3A_692 : vector<28x28x28x16xi32>
    %broadcast_in_dim3A_694 = vector.shape_cast %transpose3A : vector<28x16xi32> to vector<28x1x1x16xi32>
    %add3A_695 = vector.broadcast %broadcast_in_dim3A_694 : vector<28x1x1x16xi32> to vector<28x28x28x16xi32>
    %add3A_696 = arith.addi %mul3A_693, %add3A_695 : vector<28x28x28x16xi32>
    %swap3A = arith.constant 0 : index
    %swap3A_697 = arith.constant 0 : index
    %swap3A_698 = arith.constant 0 : index
    %swap3A_699 = arith.constant 0 : index
    %swap3A_700 = vector.load %arg2[%swap3A, %swap3A_697, %swap3A_698, %swap3A_699] : memref<28x28x28x16xi32, #tpu.memory_space<vmem>>, vector<28x28x28x16xi32>
    tpu.vector_store %arg2[%swap3A, %swap3A_697, %swap3A_698, %swap3A_699], %add3A_696 {strides = array<i32>} : memref<28x28x28x16xi32, #tpu.memory_space<vmem>>, vector<28x28x28x16xi32>,
    %slice3A_701 = vector.extract_strided_slice %add3A_678 {offsets = [0, 0], sizes = [16, 4], strides = [1, 1]} : vector<16x32xi32> to vector<16x4xi32>
    %iota3A_702 = tpu.iota {dimensions = array<i32: 1>} : vector<16x28x28x4xi32>
    %iota3A_703 = tpu.iota {dimensions = array<i32: 2>} : vector<16x28x28x4xi32>
    %iota3A_704 = tpu.iota {dimensions = array<i32: 0>} : vector<16x28x28x4xi32>
    %mul3A_705 = arith.constant 28 : i32
    %mul3A_706 = vector.broadcast %mul3A_705 : i32 to vector<16x28x28x4xi32>
    %mul3A_707 = arith.muli %iota3A_704, %mul3A_706 : vector<16x28x28x4xi32>
    %add3A_708 = arith.addi %mul3A_707, %iota3A_702 : vector<16x28x28x4xi32>
    %mul3A_709 = arith.constant 28 : i32
    %mul3A_710 = vector.broadcast %mul3A_709 : i32 to vector<16x28x28x4xi32>
    %mul3A_711 = arith.muli %add3A_708, %mul3A_710 : vector<16x28x28x4xi32>
    %add3A_712 = arith.addi %mul3A_711, %iota3A_703 : vector<16x28x28x4xi32>
    %mul3A_713 = arith.constant 32 : i32
    %mul3A_714 = vector.broadcast %mul3A_713 : i32 to vector<16x28x28x4xi32>
    %mul3A_715 = arith.muli %add3A_712, %mul3A_714 : vector<16x28x28x4xi32>
    %broadcast_in_dim3A_716 = vector.shape_cast %slice3A_701 : vector<16x4xi32> to vector<16x1x1x4xi32>
    %add3A_717 = vector.broadcast %broadcast_in_dim3A_716 : vector<16x1x1x4xi32> to vector<16x28x28x4xi32>
    %add3A_718 = arith.addi %mul3A_715, %add3A_717 : vector<16x28x28x4xi32>
    %swap3A_719 = arith.constant 0 : index
    %swap3A_720 = arith.constant 0 : index
    %swap3A_721 = arith.constant 0 : index
    %swap3A_722 = arith.constant 0 : index
    %swap3A_723 = vector.load %arg3[%swap3A_719, %swap3A_720, %swap3A_721, %swap3A_722] : memref<16x28x28x4xi32, #tpu.memory_space<vmem>>, vector<16x28x28x4xi32>
    tpu.vector_store %arg3[%swap3A_719, %swap3A_720, %swap3A_721, %swap3A_722], %add3A_718 {strides = array<i32>} : memref<16x28x28x4xi32, #tpu.memory_space<vmem>>, vector<16x28x28x4xi32>,
    return
  }
}

</mosaic_0001>

<sc_bundles>
// kernel: kernel.5.cloned.1.call-start
scs
__scs_entry_jumppad:
0x0: {  	(pc) =	sbr.rel $0x88, $3  }
0x1: {  	(tag) =	ssettag $0x0;
	lr =	simm.s32 $0x1  }
0x2: {  	[smem:$0x3F9F] =	sst lr;
	_ =	strace $0xD0000000  }
0x3: {  	_ = 	snop  }
0x4: {  	_ = 	snop  }
0x5: {  	_ = 	snop  }
0x6: {  	_ = 	snop  }
0x7: {  	_ = 	snop  }
__scs_overlays_trampoline_lowered:
0x8: {  	[smem:$0x3FAE] =	sst s0  }
0x9: {  	[smem:$0x3FAF] =	sst s1  }
0xa: {  	[smem:$0x3FB0] =	sst s2  }
0xb: {  	[smem:$0x3FB1] =	sst s3  }
0xc: {  	[smem:$0x3FB2] =	sst s4  }
0xd: {  	[smem:$0x3FB3] =	sst s5  }
0xe: {  	[smem:$0x3FB4] =	sst s6  }
0xf: {  	[smem:$0x3FB5] =	sst s7  }
0x10: {  	[smem:$0x3FB6] =	sst s8  }
0x11: {  	[smem:$0x3FB7] =	sst s9;
	s0 =	simm.s32 @!p0 $0x0  }
0x12: {  	s1 =	sld [smem:$0x3F9D];
	s0 =	simm.s32 @p0 $0x1  }
0x13: {  	[smem:$0x3FB8] =	sst s0;
	s0 =	simm.s32 @!p1 $0x0  }
0x14: {  	s2 =	sld [smem:$0x3F9C];
	s0 =	simm.s32 @p1 $0x1  }
0x15: {  	[smem:$0x3FB9] =	sst s0;
	s0 =	simm.s32 @!p2 $0x0  }
0x16: {  	s3 =	sld [smem:$0x3FDB];
	s0 =	simm.s32 @p2 $0x1  }
0x17: {  	s4 =	simm.s32 $0x1BF5;
	[smem:$0x3FBB] =	sst s0  }
0x18: {  	s0 =	sld [smem:$0x3F9E];
	_ =	swait.ge [sflag:s4], $0x0  }
0x19: {  	s7 =	sld [smem:$0x3F9F]  }
0x1a: {  	s8 =	sadd.s32 $0xFFFFE003, lr  }
0x1b: {  	s9 =	sadd.s32 $0xFFFFFEF7, lr;
	s5 =	simm.s32 $0xFFFFFFFF;
	p2 =	slt.u32 s8, $0xFFFFF086  }
0x1c: {  	p1 =	slt.u32 s9, $0xF7A;
	s5 =	simm.s32 @!p2 $0x0  }
0x1d: {  	s5 =	simm.s32 @p1 $0x1;
	p0 =	seq.s32 s7, s2  }
0x1e: {  	s7 =	smul.u32 @!p0 $0xF7A, s2;
	p2 =	seq.s32 @!p0 s5, $0x0  }
0x1f: {  	s9 =	smul.u32 $0xF7A, s1;
	s8 =	simm.s32 @!p0 $0x1BF5;
	p2 =	por !p2, p0  }
0x20: {  	[sflag:s8] =	ssyncset.s32 @!p0 $0xFFFFF086;
	s6 =	sadd.s32 @!p0 s3, s7;
	s7 =	simm.s32 @!p0 $0x108  }
0x21: {  	s3 =	sadd.s32 s3, s9;
	s6 =	sadd.s32 @!p0 $0x88, s6;
	s7 =	simm.s32 @p2 $0x1082  }
0x22: {  	[simem:s7], [sflag:s8] =	dma.local @!p0 [hbm:s6], $0xF7A  }
0x23: {  	s9 =	sor.u32 $0xD0000000, s2;
	s6 =	simm.s32 $0x108;
	_ =	swait.ge @!p0 [sflag:s8], $0x0  }
0x24: {  	s3 =	sadd.s32 $0x88, s3;
	s6 =	simm.s32 @!p1 $0x1082;
	[sflag:s4] =	ssyncset.s32 $0xFFFFF086  }
0x25: {  	[simem:s6], [sflag:s4] =	dma.local [hbm:s3], $0xF7A  }
0x26: {  	[smem:$0x3F9F] =	sst s1;
	(tag) =	ssettag s2;
	_ =	strace s9  }
0x27: {  	s1 =	sld [smem:$0x3FAF]  }
0x28: {  	s2 =	sld [smem:$0x3FB0]  }
0x29: {  	s4 =	sld [smem:$0x3FB2]  }
0x2a: {  	p0 =	seq.s32 s5, $0x0;
	s5 =	sld [smem:$0x3FB3]  }
0x2b: {  	s6 =	sld [smem:$0x3FB4]  }
0x2c: {  	s7 =	sld [smem:$0x3FB5]  }
0x2d: {  	s3 =	simm.s32 $0x108;
	s8 =	sld [smem:$0x3FB6]  }
0x2e: {  	s3 =	simm.s32 @!p0 $0x1082;
	s9 =	sld [smem:$0x3FB7]  }
0x2f: {  	lr =	sadd.s32 s0, s3;
	s0 =	sld [smem:$0x3FAE]  }
0x30: {  	s3 =	sld [smem:$0x3FB1]  }
0x31: {  	[smem:$0x3FBA] =	sst s10  }
0x32: {  	s10 =	sld [smem:$0x3FB8];
	_ =	sdelay $0x3  }
0x33: {  	p0 =	seq.s32 s10, $0x1;
	s10 =	sld [smem:$0x3FBA];
	_ =	sdelay $0x3  }
0x34: {  	[smem:$0x3FBA] =	sst s10  }
0x35: {  	s10 =	sld [smem:$0x3FB9];
	_ =	sdelay $0x3  }
0x36: {  	p1 =	seq.s32 s10, $0x1;
	s10 =	sld [smem:$0x3FBA];
	_ =	sdelay $0x3  }
0x37: {  	[smem:$0x3FBA] =	sst s10  }
0x38: {  	s10 =	sld [smem:$0x3FBB]  }
0x39: {  	_ = 	snop;
	(pc) =	sbr.ind lr, $3  }
0x3a: {  	_ = 	snop  }
0x3b: {  	_ = 	snop  }
0x3c: {  	p2 =	seq.s32 s10, $0x1;
	s10 =	sld [smem:$0x3FBA]  }
0x3d: {  	_ =	shalt  }
0x3e: {  	_ =	shalt  }
0x3f: {  	_ =	shalt  }
0x40: {  	_ =	shalt  }
0x41: {  	_ =	shalt  }
0x42: {  	_ =	shalt  }
0x43: {  	_ =	shalt  }
0x44: {  	_ =	shalt  }
0x45: {  	_ =	shalt  }
0x46: {  	_ =	shalt  }
0x47: {  	_ =	shalt  }
0x48: {  	_ =	shalt  }
0x49: {  	_ =	shalt  }
0x4a: {  	_ =	shalt  }
0x4b: {  	_ =	shalt  }
0x4c: {  	_ =	shalt  }
0x4d: {  	_ =	shalt  }
0x4e: {  	_ =	shalt  }
0x4f: {  	_ =	shalt  }
0x50: {  	_ =	shalt  }
0x51: {  	_ =	shalt  }
0x52: {  	_ =	shalt  }
0x53: {  	_ =	shalt  }
0x54: {  	_ =	shalt  }
0x55: {  	_ =	shalt  }
0x56: {  	_ =	shalt  }
0x57: {  	_ =	shalt  }
0x58: {  	_ =	shalt  }
0x59: {  	_ =	shalt  }
0x5a: {  	_ =	shalt  }
0x5b: {  	_ =	shalt  }
0x5c: {  	_ =	shalt  }
0x5d: {  	_ =	shalt  }
0x5e: {  	_ =	shalt  }
0x5f: {  	_ =	shalt  }
0x60: {  	_ =	shalt  }
0x61: {  	_ =	shalt  }
0x62: {  	_ =	shalt  }
0x63: {  	_ =	shalt  }
0x64: {  	_ =	shalt  }
0x65: {  	_ =	shalt  }
0x66: {  	_ =	shalt  }
0x67: {  	_ =	shalt  }
0x68: {  	_ =	shalt  }
0x69: {  	_ =	shalt  }
0x6a: {  	_ =	shalt  }
0x6b: {  	_ =	shalt  }
0x6c: {  	_ =	shalt  }
0x6d: {  	_ =	shalt  }
0x6e: {  	_ =	shalt  }
0x6f: {  	_ =	shalt  }
0x70: {  	_ =	shalt  }
0x71: {  	_ =	shalt  }
0x72: {  	_ =	shalt  }
0x73: {  	_ =	shalt  }
0x74: {  	_ =	shalt  }
0x75: {  	_ =	shalt  }
0x76: {  	_ =	shalt  }
0x77: {  	_ =	shalt  }
0x78: {  	_ =	shalt  }
0x79: {  	_ =	shalt  }
0x7a: {  	_ =	shalt  }
0x7b: {  	_ =	shalt  }
0x7c: {  	_ =	shalt  }
0x7d: {  	_ =	shalt  }
0x7e: {  	_ =	shalt  }
0x7f: {  	_ =	shalt  }
0x80: {  	_ =	shalt  }
0x81: {  	_ =	shalt  }
0x82: {  	_ =	shalt  }
0x83: {  	_ =	shalt  }
0x84: {  	_ =	shalt  }
0x85: {  	_ =	shalt  }
0x86: {  	_ =	shalt  }
0x87: {  	_ =	shalt  }
.Lfunc_end0:
.L_simem_size_0:
called_computation_lowered:
.L_overlay_start_0:
0x88: {  	s2 =	sld [smem:$0x3FD9]  }
0x89: {  	s3 =	sld [smem:$0x3FFE];
	_ =	sdelay $0x1  }
0x8a: {  	s1 =	srdreg.scid  }
0x8b: {  	s0 =	sand.u32 $0x1, s1  }
0x8c: {  	s14 =	sshll.u32 s0, $0xA;
	s2 =	sadd.s32 s3, s2  }
0x8d: {  	s2 =	sadd.s32 s2, s14  }
0x8e: {  	[smem:$0x3FC6] =	sst s2  }
0x8f: {  	_ = 	snop  }
0x90: {  	s2 =	sld [smem:$0x3FD0];
	_ =	sdelay $0x2  }
0x91: {  	s4 =	simm.s32 $0xA;
	s5 =	simm.s32 $0x10;
	s15 =	sld [smem:$0x3FC9]  }
0x92: {  	[smem:s5], [sflag:s4] =	dma.local [hbm:s2], $0x1  }
0x93: {  	_ =	swait.eq [sflag:s4], $0x1  }
0x94: {  	[sflag:s4] =	ssyncset.done $0x0  }
0x95: {  	s16 =	sld [smem:$0x10];
	[sflag:s4] =	ssyncadd.s32 $0xFFFFFFFF  }
0x96: {  	s17 =	sld [smem:$0x11];
	(tm) =	ssettm $0x1  }
0x97: {  	s18 =	sld [smem:$0x3FFB];
	_ =	sdelay $0x3  }
0x98: {  	_ =	strace s18  }
0x99: {  	s5 =	sld [smem:$0x3FFC];
	_ =	sdelay $0x3  }
0x9a: {  	_ =	strace s5  }
0x9b: {  	s5 =	sld [smem:$0x3FFD];
	_ =	sdelay $0x3  }
0x9c: {  	_ =	strace s5  }
0x9d: {  	_ =	strace $0x8FFFFFFF  }
0x9e: {  	s19 =	sld [smem:$0x3FDB];
	_ =	sdelay $0x1  }
0x9f: {  	s6 =	simm.s32 $_scs_section_size  }
0xa0: {  	s7 =	simm.s32 $_size__tile_overlayer_lowered;
	s8 =	simm.s32 $_tile_overlayer_lowered  }
0xa1: {  	s22 =	simm.s32 $0x1BFF;
	s21 =	sshll.u32 s8, $0x1;
	s5 =	sadd.s32 s6, s19  }
0xa2: {  	s9 =	simm.s32 $0x0;
	s20 =	sshll.u32 s7, $0x1;
	s7 =	sadd.s32 s21, s5  }
0xa3: {  	[timem:s9], [sflag:s22] =	dma.local [hbm:s7], s20  }
0xa4: {  	_ =	swait.ge [sflag:s22], s20  }
0xa5: {  	s6 =	ssub.s32 $0x0, s20;
	[sflag:s22] =	ssyncset.done $0x0  }
0xa6: {  	[sflag:s22] =	ssyncadd.s32 s6;
	_ =	sdelay $0x1  }
0xa7: {  	s23 =	simm.s32 $0x1B8B  }
0xa8: {  	_ =	swait.ge [sflag:s23], $0x1  }
0xa9: {  	[sflag:s23] =	ssyncset.done $0x0  }
0xaa: {  	s25 =	simm.s32 $0x1B8E;
	s24 =	sld [smem:$0x3FFE];
	[sflag:s23] =	ssyncadd.s32 $0xFFFFFFFF  }
0xab: {  	s26 =	simm.s32 $execute0_lowered;
	[smem:$0x3FD2] =	sst s25  }
0xac: {  	s7 =	sshll.u32 s26, $0x1;
	_ =	strace $0x80000046;
	[dreg:$0x1] =	wrdreg $0xFFFFFFFF  }
0xad: {  	s28 =	simm.s32 $_size_execute0_lowered;
	s5 =	sadd.s32 s5, s7;
	[dreg:$0x0] =	wrdreg $0x0  }
0xae: {  	s7 =	sshll.u32 s28, $0x1;
	[dreg:$0x2] =	wrdreg s5  }
0xaf: {  	[dreg:$0x3] =	wrdreg s7  }
0xb0: {  	[dreg:$0x4] =	wrdreg $0xC0  }
0xb1: {  	_ =	task [dreg:s9], $0x5FFFF  }
0xb2: {  	[dreg:$0x1] =	wrdreg $0xFFFFFFFF  }
0xb3: {  	[dreg:$0x0] =	wrdreg $0x60  }
0xb4: {  	[dreg:$0x2] =	wrdreg s15  }
0xb5: {  	[dreg:$0x3] =	wrdreg s24  }
0xb6: {  	[dreg:$0x4] =	wrdreg s17  }
0xb7: {  	[dreg:$0x5] =	wrdreg s16  }
0xb8: {  	[dreg:$0x6] =	wrdreg $0x9  }
0xb9: {  	_ =	task.clear_ibuf [dreg:s9], $0x7FFFF;
	_ =	strace $0x90000046  }
0xba: {  	s29 =	simm.s32 $0x9;
	_ =	strace $0x80000048  }
0xbb: {  	_ =	swait.ge [sflag:s29], $0x1  }
0xbc: {  	[sflag:s29] =	ssyncadd.s32 $0xFFFFFFFF  }
0xbd: {  	_ =	strace $0x90000048  }
0xbe: {  	_ =	sfence  }
0xbf: {  	s30 =	sld [smem:$0x0];
	_ =	sdelay $0x2  }
0xc0: {  	s31 =	sshll.u32 s1, $0xD;
	s1 =	sshrl.u32 s1, $0x2  }
0xc1: {  	s3 =	sand.u32 $0x4000, s31;
	s1 =	sadd.s32 s1, s30  }
0xc2: {  	s0 =	sor.u32 s3, s0;
	s1 =	sshll.u32 s1, $0x11  }
0xc3: {  	s0 =	sor.u32 s1, s0  }
0xc4: {  	s0 =	sadd.s32 $0x8F2B, s0  }
0xc5: {  	[sflag:s0] =	ssyncadd.remote.s32 $0x1  }
0xc6: {  	_ =	sfence.sel $0xFFFF  }
0xc7: {  	[dreg:$0x0] =	wrdreg $0xFFFFFFFF;
	(pc) =	sbr.abs _section_cstart, $3  }
0xc8: {  	[dreg:$0x1] =	wrdreg $0xFFFFFFFF  }
0xc9: {  	_ =	task.clear_ibuf [dreg:s9], $0x2FFFF;
	_ =	strace $0x9FFFFFFF  }
0xca: {  	(tm) =	ssettm $0x7FFFFFFF  }
0xcb: {  	_ =	shalt  }
tec
execute0_lowered:
.L_overlay_start_1:
0x0: {  	(tag) =	ssettag $0x1  }
0x1: {  	s1 =	rddreg [dreg:$0x0]  }
0x2: {  	s0 =	rddreg [dreg:$0x1];
	s12 =	stileid.u32  }
0x3: {  	s3 =	srdreg.scid;
	s24 =	smul.u32 $0x55C00, s12  }
0x4: {  	s2 =	rddreg [dreg:$0x2];
	s5 =	sand.u32 $0x1, s3;
	s25 =	smul.u32 $0x55C0, s12  }
0x5: {  	s4 =	rddreg [dreg:$0x3];
	s6 =	sshll.u32 s12, $0x1;
	s26 =	smul.u32 $0x2AE0, s5  }
0x6: {  	s6 =	sor.u32 s5, s6;
	s9 =	ssub.s32 $0x2, s5;
	s5 =	smul.u32 $0x2AE00, s5  }
0x7: {  	s28 =	simm.s32 $0x5;
	s29 =	simm.s32 $0x2AE0;
	s7 =	smul.u32 $0x55C, s6  }
0x8: {  	s30 =	simm.s32 $0x70;
	s3 =	simm.s32 $0x0;
	s8 =	smul.u32 $0xC4, s6  }
0x9: {  	s31 =	simm.s32 $0x3100;
	[smem:$0x7FF] =	sst s3;
	s11 =	smul.u32 $0x2AE00, s6  }
0xa: {  	_ =	strace $0x80000047;
	s10 =	sshrl.u32 s9, $0x1;
	s16 =	smul.u32 $0x6200, s6  }
0xb: {  	s15 =	ssub.s32 s9, s10;
	s7 =	sadd.s32 s7, s0;
	s0 =	sadd.s32 s8, s0  }
0xc: {  	s6 =	sadd.s32 s2, s11;
	s18 =	smax.u32 s15, $0x1;
	s9 =	sadd.s32 s4, s16  }
0xd: {  	s4 =	sadd.s32 s26, s25;
	s17 =	sadd.s32 $0xC00, s7;
	[dreg:$0x7] =	wrdreg s18  }
0xe: {  	s8 =	simm.s32 $0x0;
	s0 =	sadd.s32 $0xB800, s0;
	[dreg:$0x5] =	wrdreg s17  }
0xf: {  	s19 =	sadd.s32 $0x700, s6;
	s20 =	sadd.s32 $0x700, s9;
	[dreg:$0x6] =	wrdreg s0  }
0x10: {  	s21 =	sadd.s32 $0x2A000, s6;
	s22 =	sadd.s32 $0x2A700, s6;
	[dreg:$0x8] =	wrdreg s19  }
0x11: {  	s23 =	sadd.s32 $0xE00, s9;
	s14 =	sadd.s32 $0x1500, s9;
	[dreg:$0x9] =	wrdreg s20  }
0x12: {  	s15 =	sadd.s32 $0x1C00, s9;
	s16 =	sadd.s32 $0x2300, s9;
	[dreg:$0xa] =	wrdreg s21  }
0x13: {  	s18 =	sadd.s32 $0x3100, s9;
	s4 =	sshll.u32 s4, $0x4;
	[dreg:$0xb] =	wrdreg s22  }
0x14: {  	s26 =	sadd.s32 $0x5B00, s9;
	s7 =	simm.s32 $0x4;
	[dreg:$0xc] =	wrdreg s23  }
0x15: {  	s17 =	sadd.s32 $0x2A00, s9;
	s19 =	sadd.s32 $0x3800, s9;
	s20 =	sadd.s32 $0x3F00, s9  }
0x16: {  	s21 =	sadd.s32 $0x4600, s9;
	s0 =	sadd.s32 s24, s2;
	s22 =	sadd.s32 $0x4D00, s9  }
0x17: {  	s2 =	sadd.s32 s2, s4;
	s23 =	sadd.s32 $0x5400, s9;
	s4 =	simm.s32 $0x3  }
0x18: {  	s0 =	sadd.s32 s5, s0;
	s25 =	sadd.s32 $0x1500, s2;
	s2 =	simm.s32 $0x6900  }
0x19: {  	s5 =	simm.s32 $0x2;
	s24 =	sadd.s32 $0xE00, s0;
	s0 =	simm.s32 $0x1  }
.LBB2_1:
0x1a: {  	s10 =	rddreg [dreg:$0x5]  }
0x1b: {  	[tilespmem:s3], [sflag:$0x5] =	stream.linear.gather [hbm4b:s10+s3], $0x2AE0, $0x38;
	[tilespmem:$0xA100] =	vst v63  }
0x1c: {  	_ =	swait.ge [sflag:s28], $0x2AE0  }
0x1d: {  	[sflag:s28] =	ssyncset.done $0x0  }
0x1e: {  	s11 =	rddreg [dreg:$0x6];
	[sflag:s28] =	ssyncadd.s32 $0xFFFFD520  }
0x1f: {  	[tilespmem:s29], [sflag:$0x5] =	stream.linear.gather [hbm4b:s11+s3], $0x620, $0x38;
	[tilespmem:$0xA100] =	vst v63  }
0x20: {  	_ =	swait.ge [sflag:s28], $0x620  }
0x21: {  	[sflag:s28] =	ssyncset.done $0x0  }
0x22: {  	[sflag:s28] =	ssyncadd.s32 $0xFFFFF9E0  }
0x23: {  	[tilespmem:s31], [sflag:$0x1] =	stream.indirect.gather [hbm4b:s1+s30], $0x80, s3, s30, $0xb8;
	[tilespmem:$0xA100] =	vst v63  }
0x24: {  	_ = 	snop  }
0x25: {  	[tilespmem:s2], [sflag:$0x2] =	stream.indirect.gather [hbm4b:s1+s30], $0x80, s30, s30, $0xb8;
	[tilespmem:$0xA100] =	vst v63  }
0x26: {  	_ =	swait.ge [sflag:s0], $0x3800  }
0x27: {  	[sflag:s0] =	ssyncset.done $0x0  }
0x28: {  	[sflag:s0] =	ssyncadd.s32 $0xFFFFC800  }
0x29: {  	[hbm4b:s6+s3] =	stream.linear.scatter [tilespmem:s31], [sflag:$0x3], $0x3800, $0x38;
	[tilespmem:$0xA100] =	vst v63  }
0x2a: {  	_ =	swait.ge [sflag:s4], $0x3800  }
0x2b: {  	[sflag:s4] =	ssyncset.done $0x0  }
0x2c: {  	s12 =	simm.s32 $0xE0;
	[sflag:s4] =	ssyncadd.s32 $0xFFFFC800  }
0x2d: {  	[tilespmem:s31], [sflag:$0x1] =	stream.indirect.gather [hbm4b:s1+s30], $0x80, s12, s30, $0xb8;
	[tilespmem:$0xA100] =	vst v63  }
0x2e: {  	_ =	swait.ge [sflag:s5], $0x3800  }
0x2f: {  	[sflag:s5] =	ssyncset.done $0x0  }
0x30: {  	s13 =	rddreg [dreg:$0x8];
	[sflag:s5] =	ssyncadd.s32 $0xFFFFC800  }
0x31: {  	[hbm4b:s13+s3] =	stream.linear.scatter [tilespmem:s2], [sflag:$0x4], $0x3800, $0x38;
	[tilespmem:$0xA100] =	vst v63  }
0x32: {  	_ =	swait.ge [sflag:s7], $0x3800  }
0x33: {  	[sflag:s7] =	ssyncset.done $0x0  }
0x34: {  	s11 =	simm.s32 $0x150;
	[sflag:s7] =	ssyncadd.s32 $0xFFFFC800  }
0x35: {  	[tilespmem:s2], [sflag:$0x2] =	stream.indirect.gather [hbm4b:s1+s30], $0x80, s11, s30, $0xb8;
	[tilespmem:$0xA100] =	vst v63  }
0x36: {  	_ =	swait.ge [sflag:s0], $0x3800  }
0x37: {  	[sflag:s0] =	ssyncset.done $0x0  }
0x38: {  	s12 =	sadd.s32 $0x0, s24;
	[sflag:s0] =	ssyncadd.s32 $0xFFFFC800  }
0x39: {  	[hbm4b:s12+s3] =	stream.linear.scatter [tilespmem:s31], [sflag:$0x3], $0x3800, $0x38;
	[tilespmem:$0xA100] =	vst v63  }
0x3a: {  	_ =	swait.ge [sflag:s4], $0x3800  }
0x3b: {  	[sflag:s4] =	ssyncset.done $0x0  }
0x3c: {  	s13 =	simm.s32 $0x1C0;
	[sflag:s4] =	ssyncadd.s32 $0xFFFFC800  }
0x3d: {  	[tilespmem:s31], [sflag:$0x1] =	stream.indirect.gather [hbm4b:s1+s30], $0x80, s13, s30, $0xb8;
	[tilespmem:$0xA100] =	vst v63  }
0x3e: {  	_ =	swait.ge [sflag:s5], $0x3800  }
0x3f: {  	s10 =	simm.s32 $0xE00;
	[sflag:s5] =	ssyncset.done $0x0  }
0x40: {  	s11 =	simm.s32 $0x2A0;
	s12 =	sadd.s32 $0x0, s25;
	[sflag:s5] =	ssyncadd.s32 $0xFFFFC800  }
.LBB2_2:
0x41: {  	[hbm4b:s12+s3] =	stream.linear.scatter [tilespmem:s2], [sflag:$0x4], $0x3800, $0x38;
	[tilespmem:$0xA100] =	vst v63  }
0x42: {  	s12 =	smov.u32 s10  }
0x43: {  	p0 =	sne.s32 s10, $0x28400;
	s10 =	sadd.s32 $0xE00, s10;
	_ =	swait.ge [sflag:s7], $0x3800  }
0x44: {  	[sflag:s7] =	ssyncset.done $0x0  }
0x45: {  	s13 =	sadd.s32 $0xFFFFFF90, s11;
	[sflag:s7] =	ssyncadd.s32 $0xFFFFC800  }
0x46: {  	[tilespmem:s2], [sflag:$0x2] =	stream.indirect.gather [hbm4b:s1+s30], $0x80, s13, s30, $0xb8;
	[tilespmem:$0xA100] =	vst v63  }
0x47: {  	_ =	swait.ge [sflag:s0], $0x3800  }
0x48: {  	[sflag:s0] =	ssyncset.done $0x0  }
0x49: {  	s13 =	sadd.s32 s12, s24;
	[sflag:s0] =	ssyncadd.s32 $0xFFFFC800  }
0x4a: {  	[hbm4b:s13+s3] =	stream.linear.scatter [tilespmem:s31], [sflag:$0x3], $0x3800, $0x38;
	[tilespmem:$0xA100] =	vst v63  }
0x4b: {  	_ =	swait.ge [sflag:s4], $0x3800  }
0x4c: {  	[sflag:s4] =	ssyncset.done $0x0  }
.Ltmp0:
0x4d: {  	[sflag:s4] =	ssyncadd.s32 $0xFFFFC800;
	(pc) =	sbr.rel @p0 .LBB2_2-.Ltmp0, $4  }
0x4e: {  	[tilespmem:s31], [sflag:$0x1] =	stream.indirect.gather [hbm4b:s1+s30], $0x80, s11, s30, $0xb8;
	[tilespmem:$0xA100] =	vst v63  }
0x4f: {  	_ =	swait.ge [sflag:s5], $0x3800  }
0x50: {  	[sflag:s5] =	ssyncset.done $0x0  }
0x51: {  	s12 =	sadd.s32 s12, s25;
	s11 =	sadd.s32 $0xE0, s11;
	[sflag:s5] =	ssyncadd.s32 $0xFFFFC800  }
0x52: {  	[hbm4b:s12+s3] =	stream.linear.scatter [tilespmem:s2], [sflag:$0x4], $0x3800, $0x38;
	[tilespmem:$0xA100] =	vst v63  }
0x53: {  	_ =	swait.ge [sflag:s7], $0x3800  }
0x54: {  	[sflag:s7] =	ssyncset.done $0x0  }
0x55: {  	s10 =	simm.s32 $0x2A70;
	[sflag:s7] =	ssyncadd.s32 $0xFFFFC800  }
0x56: {  	[tilespmem:s2], [sflag:$0x2] =	stream.indirect.gather [hbm4b:s1+s30], $0x80, s10, s30, $0xb8;
	[tilespmem:$0xA100] =	vst v63  }
0x57: {  	_ =	swait.ge [sflag:s0], $0x3800  }
0x58: {  	[sflag:s0] =	ssyncset.done $0x0  }
0x59: {  	s11 =	rddreg [dreg:$0xa];
	[sflag:s0] =	ssyncadd.s32 $0xFFFFC800  }
0x5a: {  	[hbm4b:s11+s3] =	stream.linear.scatter [tilespmem:s31], [sflag:$0x3], $0x3800, $0x38;
	[tilespmem:$0xA100] =	vst v63  }
0x5b: {  	_ =	swait.ge [sflag:s5], $0x3800  }
0x5c: {  	[sflag:s5] =	ssyncset.done $0x0  }
0x5d: {  	s12 =	rddreg [dreg:$0xb];
	[sflag:s5] =	ssyncadd.s32 $0xFFFFC800  }
0x5e: {  	[hbm4b:s12+s3] =	stream.linear.scatter [tilespmem:s2], [sflag:$0x4], $0x3800, $0x38;
	[tilespmem:$0xA100] =	vst v63  }
0x5f: {  	_ =	swait.ge [sflag:s4], $0x3800  }
0x60: {  	[sflag:s4] =	ssyncset.done $0x0  }
0x61: {  	[sflag:s4] =	ssyncadd.s32 $0xFFFFC800  }
0x62: {  	_ =	swait.ge [sflag:s7], $0x3800  }
0x63: {  	[sflag:s7] =	ssyncset.done $0x0  }
0x64: {  	[sflag:s7] =	ssyncadd.s32 $0xFFFFC800  }
0x65: {  	[tilespmem:s31], [sflag:$0x1] =	stream.indirect.gather [hbm4b:s1+s30], $0x80, s29, s30, $0xb8;
	[tilespmem:$0xA100] =	vst v63  }
0x66: {  	s13 =	simm.s32 $0x2B50  }
0x67: {  	[tilespmem:s2], [sflag:$0x2] =	stream.indirect.gather [hbm4b:s1+s30], $0x80, s13, s30, $0xb8;
	[tilespmem:$0xA100] =	vst v63  }
0x68: {  	_ =	swait.ge [sflag:s0], $0x3800  }
0x69: {  	[sflag:s0] =	ssyncset.done $0x0  }
0x6a: {  	[sflag:s0] =	ssyncadd.s32 $0xFFFFC800  }
0x6b: {  	[hbm4b:s9+s3] =	stream.linear.scatter [tilespmem:s31], [sflag:$0x3], $0x3800, $0x38;
	[tilespmem:$0xA100] =	vst v63  }
0x6c: {  	_ =	swait.ge [sflag:s4], $0x3800  }
0x6d: {  	[sflag:s4] =	ssyncset.done $0x0  }
0x6e: {  	s11 =	simm.s32 $0x2BC0;
	[sflag:s4] =	ssyncadd.s32 $0xFFFFC800  }
0x6f: {  	[tilespmem:s31], [sflag:$0x1] =	stream.indirect.gather [hbm4b:s1+s30], $0x80, s11, s30, $0xb8;
	[tilespmem:$0xA100] =	vst v63  }
0x70: {  	_ =	swait.ge [sflag:s5], $0x3800  }
0x71: {  	[sflag:s5] =	ssyncset.done $0x0  }
0x72: {  	s12 =	rddreg [dreg:$0x9];
	[sflag:s5] =	ssyncadd.s32 $0xFFFFC800  }
0x73: {  	[hbm4b:s12+s3] =	stream.linear.scatter [tilespmem:s2], [sflag:$0x4], $0x3800, $0x38;
	[tilespmem:$0xA100] =	vst v63  }
0x74: {  	_ =	swait.ge [sflag:s7], $0x3800  }
0x75: {  	[sflag:s7] =	ssyncset.done $0x0  }
0x76: {  	s13 =	simm.s32 $0x2C30;
	[sflag:s7] =	ssyncadd.s32 $0xFFFFC800  }
0x77: {  	[tilespmem:s2], [sflag:$0x2] =	stream.indirect.gather [hbm4b:s1+s30], $0x80, s13, s30, $0xb8;
	[tilespmem:$0xA100] =	vst v63  }
0x78: {  	_ =	swait.ge [sflag:s0], $0x3800  }
0x79: {  	[sflag:s0] =	ssyncset.done $0x0  }
0x7a: {  	s11 =	rddreg [dreg:$0xc];
	[sflag:s0] =	ssyncadd.s32 $0xFFFFC800  }
0x7b: {  	[hbm4b:s11+s3] =	stream.linear.scatter [tilespmem:s31], [sflag:$0x3], $0x3800, $0x38;
	[tilespmem:$0xA100] =	vst v63  }
0x7c: {  	_ =	swait.ge [sflag:s4], $0x3800  }
0x7d: {  	[sflag:s4] =	ssyncset.done $0x0  }
0x7e: {  	s12 =	simm.s32 $0x2CA0;
	[sflag:s4] =	ssyncadd.s32 $0xFFFFC800  }
0x7f: {  	[tilespmem:s31], [sflag:$0x1] =	stream.indirect.gather [hbm4b:s1+s30], $0x80, s12, s30, $0xb8;
	[tilespmem:$0xA100] =	vst v63  }
0x80: {  	_ =	swait.ge [sflag:s5], $0x3800  }
0x81: {  	[sflag:s5] =	ssyncset.done $0x0  }
0x82: {  	[sflag:s5] =	ssyncadd.s32 $0xFFFFC800  }
0x83: {  	[hbm4b:s14+s3] =	stream.linear.scatter [tilespmem:s2], [sflag:$0x4], $0x3800, $0x38;
	[tilespmem:$0xA100] =	vst v63  }
0x84: {  	_ =	swait.ge [sflag:s7], $0x3800  }
0x85: {  	[sflag:s7] =	ssyncset.done $0x0  }
0x86: {  	s13 =	simm.s32 $0x2D10;
	[sflag:s7] =	ssyncadd.s32 $0xFFFFC800  }
0x87: {  	[tilespmem:s2], [sflag:$0x2] =	stream.indirect.gather [hbm4b:s1+s30], $0x80, s13, s30, $0xb8;
	[tilespmem:$0xA100] =	vst v63  }
0x88: {  	_ =	swait.ge [sflag:s0], $0x3800  }
0x89: {  	[sflag:s0] =	ssyncset.done $0x0  }
0x8a: {  	[sflag:s0] =	ssyncadd.s32 $0xFFFFC800  }
0x8b: {  	[hbm4b:s15+s3] =	stream.linear.scatter [tilespmem:s31], [sflag:$0x3], $0x3800, $0x38;
	[tilespmem:$0xA100] =	vst v63  }
0x8c: {  	_ =	swait.ge [sflag:s4], $0x3800  }
0x8d: {  	[sflag:s4] =	ssyncset.done $0x0  }
0x8e: {  	s11 =	simm.s32 $0x2D80;
	[sflag:s4] =	ssyncadd.s32 $0xFFFFC800  }
0x8f: {  	[tilespmem:s31], [sflag:$0x1] =	stream.indirect.gather [hbm4b:s1+s30], $0x80, s11, s30, $0xb8;
	[tilespmem:$0xA100] =	vst v63  }
0x90: {  	_ =	swait.ge [sflag:s5], $0x3800  }
0x91: {  	[sflag:s5] =	ssyncset.done $0x0  }
0x92: {  	[sflag:s5] =	ssyncadd.s32 $0xFFFFC800  }
0x93: {  	[hbm4b:s16+s3] =	stream.linear.scatter [tilespmem:s2], [sflag:$0x4], $0x3800, $0x38;
	[tilespmem:$0xA100] =	vst v63  }
0x94: {  	_ =	swait.ge [sflag:s7], $0x3800  }
0x95: {  	[sflag:s7] =	ssyncset.done $0x0  }
0x96: {  	s12 =	simm.s32 $0x2DF0;
	[sflag:s7] =	ssyncadd.s32 $0xFFFFC800  }
0x97: {  	[tilespmem:s2], [sflag:$0x2] =	stream.indirect.gather [hbm4b:s1+s30], $0x80, s12, s30, $0xb8;
	[tilespmem:$0xA100] =	vst v63  }
0x98: {  	_ =	swait.ge [sflag:s0], $0x3800  }
0x99: {  	[sflag:s0] =	ssyncset.done $0x0  }
0x9a: {  	[sflag:s0] =	ssyncadd.s32 $0xFFFFC800  }
0x9b: {  	[hbm4b:s17+s3] =	stream.linear.scatter [tilespmem:s31], [sflag:$0x3], $0x3800, $0x38;
	[tilespmem:$0xA100] =	vst v63  }
0x9c: {  	_ =	swait.ge [sflag:s4], $0x3800  }
0x9d: {  	[sflag:s4] =	ssyncset.done $0x0  }
0x9e: {  	s13 =	simm.s32 $0x2E60;
	[sflag:s4] =	ssyncadd.s32 $0xFFFFC800  }
0x9f: {  	[tilespmem:s31], [sflag:$0x1] =	stream.indirect.gather [hbm4b:s1+s30], $0x80, s13, s30, $0xb8;
	[tilespmem:$0xA100] =	vst v63  }
0xa0: {  	_ =	swait.ge [sflag:s5], $0x3800  }
0xa1: {  	[sflag:s5] =	ssyncset.done $0x0  }
0xa2: {  	[sflag:s5] =	ssyncadd.s32 $0xFFFFC800  }
0xa3: {  	[hbm4b:s18+s3] =	stream.linear.scatter [tilespmem:s2], [sflag:$0x4], $0x3800, $0x38;
	[tilespmem:$0xA100] =	vst v63  }
0xa4: {  	_ =	swait.ge [sflag:s7], $0x3800  }
0xa5: {  	[sflag:s7] =	ssyncset.done $0x0  }
0xa6: {  	s11 =	simm.s32 $0x2ED0;
	[sflag:s7] =	ssyncadd.s32 $0xFFFFC800  }
0xa7: {  	[tilespmem:s2], [sflag:$0x2] =	stream.indirect.gather [hbm4b:s1+s30], $0x80, s11, s30, $0xb8;
	[tilespmem:$0xA100] =	vst v63  }
0xa8: {  	_ =	swait.ge [sflag:s0], $0x3800  }
0xa9: {  	[sflag:s0] =	ssyncset.done $0x0  }
0xaa: {  	[sflag:s0] =	ssyncadd.s32 $0xFFFFC800  }
0xab: {  	[hbm4b:s19+s3] =	stream.linear.scatter [tilespmem:s31], [sflag:$0x3], $0x3800, $0x38;
	[tilespmem:$0xA100] =	vst v63  }
0xac: {  	_ =	swait.ge [sflag:s4], $0x3800  }
0xad: {  	[sflag:s4] =	ssyncset.done $0x0  }
0xae: {  	s12 =	simm.s32 $0x2F40;
	[sflag:s4] =	ssyncadd.s32 $0xFFFFC800  }
0xaf: {  	[tilespmem:s31], [sflag:$0x1] =	stream.indirect.gather [hbm4b:s1+s30], $0x80, s12, s30, $0xb8;
	[tilespmem:$0xA100] =	vst v63  }
0xb0: {  	_ =	swait.ge [sflag:s5], $0x3800  }
0xb1: {  	[sflag:s5] =	ssyncset.done $0x0  }
0xb2: {  	[sflag:s5] =	ssyncadd.s32 $0xFFFFC800  }
0xb3: {  	[hbm4b:s20+s3] =	stream.linear.scatter [tilespmem:s2], [sflag:$0x4], $0x3800, $0x38;
	[tilespmem:$0xA100] =	vst v63  }
0xb4: {  	_ =	swait.ge [sflag:s7], $0x3800  }
0xb5: {  	[sflag:s7] =	ssyncset.done $0x0  }
0xb6: {  	s13 =	simm.s32 $0x2FB0;
	[sflag:s7] =	ssyncadd.s32 $0xFFFFC800  }
0xb7: {  	[tilespmem:s2], [sflag:$0x2] =	stream.indirect.gather [hbm4b:s1+s30], $0x80, s13, s30, $0xb8;
	[tilespmem:$0xA100] =	vst v63  }
0xb8: {  	_ =	swait.ge [sflag:s0], $0x3800  }
0xb9: {  	[sflag:s0] =	ssyncset.done $0x0  }
0xba: {  	[sflag:s0] =	ssyncadd.s32 $0xFFFFC800  }
0xbb: {  	[hbm4b:s21+s3] =	stream.linear.scatter [tilespmem:s31], [sflag:$0x3], $0x3800, $0x38;
	[tilespmem:$0xA100] =	vst v63  }
0xbc: {  	_ =	swait.ge [sflag:s4], $0x3800  }
0xbd: {  	[sflag:s4] =	ssyncset.done $0x0  }
0xbe: {  	s11 =	simm.s32 $0x3020;
	[sflag:s4] =	ssyncadd.s32 $0xFFFFC800  }
0xbf: {  	[tilespmem:s31], [sflag:$0x1] =	stream.indirect.gather [hbm4b:s1+s30], $0x80, s11, s30, $0xb8;
	[tilespmem:$0xA100] =	vst v63  }
0xc0: {  	_ =	swait.ge [sflag:s5], $0x3800  }
0xc1: {  	[sflag:s5] =	ssyncset.done $0x0  }
0xc2: {  	[sflag:s5] =	ssyncadd.s32 $0xFFFFC800  }
0xc3: {  	[hbm4b:s22+s3] =	stream.linear.scatter [tilespmem:s2], [sflag:$0x4], $0x3800, $0x38;
	[tilespmem:$0xA100] =	vst v63  }
0xc4: {  	_ =	swait.ge [sflag:s7], $0x3800  }
0xc5: {  	[sflag:s7] =	ssyncset.done $0x0  }
0xc6: {  	s12 =	simm.s32 $0x3090;
	[sflag:s7] =	ssyncadd.s32 $0xFFFFC800  }
0xc7: {  	[tilespmem:s2], [sflag:$0x2] =	stream.indirect.gather [hbm4b:s1+s30], $0x80, s12, s30, $0xb8;
	[tilespmem:$0xA100] =	vst v63  }
0xc8: {  	_ =	swait.ge [sflag:s0], $0x3800  }
0xc9: {  	[sflag:s0] =	ssyncset.done $0x0  }
0xca: {  	[sflag:s0] =	ssyncadd.s32 $0xFFFFC800  }
0xcb: {  	[hbm4b:s23+s3] =	stream.linear.scatter [tilespmem:s31], [sflag:$0x3], $0x3800, $0x38;
	[tilespmem:$0xA100] =	vst v63  }
0xcc: {  	_ =	swait.ge [sflag:s5], $0x3800  }
0xcd: {  	[sflag:s5] =	ssyncset.done $0x0  }
0xce: {  	[sflag:s5] =	ssyncadd.s32 $0xFFFFC800  }
0xcf: {  	[hbm4b:s26+s3] =	stream.linear.scatter [tilespmem:s2], [sflag:$0x4], $0x3800, $0x38;
	[tilespmem:$0xA100] =	vst v63  }
0xd0: {  	_ =	swait.ge [sflag:s4], $0x3800  }
0xd1: {  	[sflag:s4] =	ssyncset.done $0x0  }
0xd2: {  	[sflag:s4] =	ssyncadd.s32 $0xFFFFC800  }
0xd3: {  	_ =	swait.ge [sflag:s7], $0x3800  }
0xd4: {  	s8 =	sadd.s32 $0x1, s8;
	s13 =	rddreg [dreg:$0x7]  }
0xd5: {  	p0 =	sne.s32 s8, s13  }
.Ltmp1:
0xd6: {  	_ = 	snop;
	(pc) =	sbr.rel @p0 .LBB2_1-.Ltmp1, $3  }
0xd7: {  	_ =	sdelay $0x1  }
0xd8: {  	[sflag:s7] =	ssyncset.done $0x0  }
0xd9: {  	[sflag:s7] =	ssyncadd.s32 $0xFFFFC800  }
0xda: {  	_ =	sfence.sel $0x180000  }
0xdb: {  	[bflag:$0x0] =	sbarrier.arrive $0xFFFF  }
0xdc: {  	_ =	strace $0x90000047  }
0xdd: {  	s0 =	stileid.u32;
	[bflag:$0x2] =	sbarrier.arrive $0xFFFF  }
0xde: {  	p0 =	sne.s32 s0, $0x0;
	s0 =	rddreg [dreg:$0x4]  }
0xdf: {  	s0 =	sadd.s32 @!p0 $0x100000, s0  }
0xe0: {  	[sflag:s0] =	ssyncadd.tile.s32 @!p0 $0x1;
	_ =	shalt  }
.Lfunc_end2:
_tile_overlayer_lowered:
.L_overlay_start_2:
0xe1: {  	(tag) =	ssettag $0x2  }
0xe2: {  	s0 =	rddreg [dreg:$0x0];
	s2 =	stileid.u32  }
0xe3: {  	s1 =	rddreg [dreg:$0x1];
	p0 =	sne.s32 s2, $0x0  }
0xe4: {  	s3 =	rddreg [dreg:$0x2];
	[bflag:$0x3] =	sbarrier.arrive $0xFFFF;
	s2 =	simm.s32 @!p0 $0x1C05  }
0xe5: {  	[timem:s3], [sflag:s2] =	dma.local @!p0 [hbm:s0], s1  }
0xe6: {  	s0 =	simm.s32 @!p0 $0x5  }
0xe7: {  	_ =	swait.ge @!p0 [sflag:s0], s1  }
0xe8: {  	s1 =	ssub.s32 @!p0 $0x0, s1;
	[sflag:s0] =	ssyncset.done @!p0 $0x0  }
0xe9: {  	[sflag:s0] =	ssyncadd.s32 @!p0 s1  }
0xea: {  	[bflag:$0x3] =	sbarrier.arrive $0xFFFF  }
0xeb: {  	_ =	shalt  }

</sc_bundles>
